<compile_context>
chip_gen: v7x
topology: tpu7x:2x2x1
jax: 0.10.2.dev20260603
libtpu: 0.0.44.dev20260713+nightly
codegen_flags: <defaults>
</compile_context>

<pallas_src>
import jax
import jax.numpy as jnp
from jax import lax
from jax.experimental import pallas as pl
from jax.experimental.pallas import tpu as pltpu
from jax.experimental.pallas import tpu_sc as plsc

HIDDEN = 1024
EXPERTS = 64
TOPK = 8
TOKENS = 32768
BLOCK = 512
HALF_T = TOKENS // 2
NBLK = HALF_T // BLOCK

NUM_CORES = 2
NUM_SUBCORES = 16
LANES = 16
NW = NUM_CORES * NUM_SUBCORES
TOK_PER_W = TOKENS // NW
CHUNK = 512
GROUPS = CHUNK // LANES
NCHUNK = TOK_PER_W // CHUNK


def _logits_kernel(xl_ref, xr_ref, w_ref, b_ref, g_ref, packed_ref):
    w = w_ref[...]
    b = b_ref[...]
    accl = jax.lax.dot_general(
        xl_ref[...], w, (((1,), (1,)), ((), ())),
        preferred_element_type=jnp.float32,
    )
    accr = jax.lax.dot_general(
        xr_ref[...], w, (((1,), (1,)), ((), ())),
        preferred_element_type=jnp.float32,
    )
    ll = accl + b
    lr = accr + b
    g_ref[0] = ll
    g_ref[1] = lr
    packed_ref[...] = jnp.concatenate([ll, lr], axis=1)


def _compute_logits(x, W, b2):
    return pl.pallas_call(
        _logits_kernel,
        grid=(NBLK,),
        in_specs=[
            pl.BlockSpec((BLOCK, HIDDEN), lambda i: (i, 0)),
            pl.BlockSpec((BLOCK, HIDDEN), lambda i: (i + NBLK, 0)),
            pl.BlockSpec((EXPERTS, HIDDEN), lambda i: (0, 0)),
            pl.BlockSpec((1, EXPERTS), lambda i: (0, 0)),
        ],
        out_specs=[
            pl.BlockSpec((2, BLOCK, EXPERTS), lambda i: (0, i, 0)),
            pl.BlockSpec((BLOCK, 2 * EXPERTS), lambda i: (i, 0)),
        ],
        out_shape=[
            jax.ShapeDtypeStruct((2, HALF_T, EXPERTS), jnp.float32),
            jax.ShapeDtypeStruct((HALF_T, 2 * EXPERTS), jnp.float32),
        ],
        compiler_params=pltpu.CompilerParams(
            dimension_semantics=("arbitrary",),
        ),
    )(x, x, W, b2)


def _route_body(logits_hbm, sparse_hbm, idx_hbm, in_v, out_v, idx_v):
    c = lax.axis_index("c")
    s = lax.axis_index("s")
    wid = s * NUM_CORES + c
    base = wid * TOK_PER_W
    lane_iota = lax.iota(jnp.int32, LANES)
    zero16 = jnp.zeros((LANES,), jnp.float32)
    neg16 = jnp.full((LANES,), -jnp.inf, jnp.float32)
    izero16 = jnp.zeros((LANES,), jnp.int32)

    def chunk_body(ci, carry):
        row0 = base + ci * CHUNK
        pltpu.sync_copy(
            logits_hbm.at[pl.ds(row0 * EXPERTS, CHUNK * EXPERTS)], in_v
        )

        @plsc.parallel_loop(0, CHUNK * EXPERTS // 128, 1, unroll=4)
        def zero_body(z):
            for u in range(8):
                out_v[pl.ds(z * 128 + u * LANES, LANES)] = zero16

        @plsc.parallel_loop(0, GROUPS, 1, unroll=2)
        def group_body(g):
            rbase = ((g & 15) * LANES + lane_iota) * (2 * EXPERTS) + (
                g >> 4
            ) * EXPERTS

            UNROLL = 8

            def exp_body(eo, tk):
                vs = list(tk[:TOPK])
                ix = list(tk[TOPK:])
                ebase = izero16 + eo * UNROLL
                for k in range(UNROLL):
                    t = plsc.load_gather(in_v, [rbase + (eo * UNROLL + k)])
                    ti = ebase + k
                    for j in range(TOPK):
                        cgt = t > vs[j]
                        nv = jnp.maximum(vs[j], t)
                        nt = jnp.minimum(vs[j], t)
                        ni = jnp.where(cgt, ti, ix[j])
                        nti = jnp.where(cgt, ix[j], ti)
                        vs[j], t, ix[j], ti = nv, nt, ni, nti
                return tuple(vs) + tuple(ix)

            init = tuple([neg16] * TOPK) + tuple([izero16] * TOPK)
            tk = plsc.parallel_loop(0, EXPERTS // UNROLL, 1, carry=init)(
                exp_body
            )
            vs = tk[:TOPK]
            ix = tk[TOPK:]

            m0 = vs[0]
            es = [jnp.exp(v - m0) for v in vs]
            tot = es[0]
            for j in range(1, TOPK):
                tot = tot + es[j]
            inv = 1.0 / tot
            kbase = ((g & 15) * LANES + lane_iota) * (2 * TOPK) + (
                g >> 4
            ) * TOPK
            for j in range(TOPK):
                plsc.store_scatter(out_v, [rbase + ix[j]], es[j] * inv)
                plsc.store_scatter(idx_v, [kbase + j], ix[j])
        pltpu.sync_copy(
            out_v, sparse_hbm.at[pl.ds(row0 * EXPERTS, CHUNK * EXPERTS)]
        )
        pltpu.sync_copy(idx_v, idx_hbm.at[pl.ds(row0 * TOPK, CHUNK * TOPK)])
        return carry

    lax.fori_loop(0, NCHUNK, chunk_body, 0)


def _route(logits_flat):
    mesh = plsc.VectorSubcoreMesh(
        core_axis_name="c",
        subcore_axis_name="s",
        num_cores=NUM_CORES,
        num_subcores=NUM_SUBCORES,
    )
    fn = pl.kernel(
        _route_body,
        out_type=[
            jax.ShapeDtypeStruct((TOKENS * EXPERTS,), jnp.float32),
            jax.ShapeDtypeStruct((TOKENS * TOPK,), jnp.int32),
        ],
        mesh=mesh,
        scratch_types=[
            pltpu.VMEM((CHUNK * EXPERTS,), jnp.float32),
            pltpu.VMEM((CHUNK * EXPERTS,), jnp.float32),
            pltpu.VMEM((CHUNK * TOPK,), jnp.int32),
        ],
        compiler_params=pltpu.CompilerParams(needs_layout_passes=False),
    )
    return fn(logits_flat)


@jax.jit
def kernel(x, W, b):
    b2 = b.reshape(1, EXPERTS)
    gate3, packed = _compute_logits(x, W, b2)
    gate = gate3.reshape(TOKENS, EXPERTS)
    sp_flat, idx_flat = _route(packed.reshape(-1))
    sp2 = sp_flat.reshape(HALF_T, 2 * EXPERTS)
    ix2 = idx_flat.reshape(HALF_T, 2 * TOPK)
    sparse = jnp.concatenate([sp2[:, :EXPERTS], sp2[:, EXPERTS:]], axis=0)
    idx = jnp.concatenate([ix2[:, :TOPK], ix2[:, TOPK:]], axis=0)
    return sparse, idx, gate

# --- scband reference (transcript-rebuilt; emitter-appended) ---
"""Pipeline reference for scband-gating-45354854646406 (READ-ONLY COPY).

The authoritative reference and input builder live on the scoring server;
editing this copy changes nothing except your own understanding.
"""

import jax, jax.numpy as jnp
import numpy as np

HIDDEN = 1024
EXPERTS = 64
TOPK = 8
TOKENS = 32768


def setup_inputs(seed: int = 0) -> dict:
    key = jax.random.key(seed)
    kx, kw = jax.random.split(key, 2)
    x = jax.random.normal(kx, (TOKENS, HIDDEN), dtype=jnp.float32)
    # nn.Linear(hidden_size, expert_num): weight [E, H], bias [E]
    bound = 1.0 / np.sqrt(HIDDEN)
    W = jax.random.uniform(kw, (EXPERTS, HIDDEN), dtype=jnp.float32, minval=-bound, maxval=bound)
    b = jnp.zeros((EXPERTS,), dtype=jnp.float32)
    return {"x": x, "W": W, "b": b}


def reference(x, W, b):
    # logits = self.gate(x)
    logits = x @ W.T + b
    # logits.topk(self.topk, dim=-1)
    logits_topk, indices = jax.lax.top_k(logits, TOPK)
    # zeros = full_like(logits, -inf); scatter topk values back
    rows = jnp.arange(logits.shape[0])[:, None]
    sparse_logits = jnp.full_like(logits, -jnp.inf)
    sparse_logits = sparse_logits.at[rows, indices].set(logits_topk)
    # softmax over experts (non-topk entries are -inf -> prob 0)
    sparse_logits = jax.nn.softmax(sparse_logits, axis=-1)
    gate_logit = logits.reshape(-1, EXPERTS)
    return (sparse_logits, indices, gate_logit)

if __name__ == "__main__":
    import jax
    _d = setup_inputs()
    print(jax.jit(kernel)(*tuple(_d.values())))

</pallas_src>

<mosaic_0001>
#map = affine_map<(d0, d1) -> (0)>
module attributes {stable_mosaic.version = 14 : i64} {
  func.func @_route_body(%arg0: i32, %arg1: i32, %arg2: memref<2097152xf32, #tpu.memory_space<hbm>>, %arg3: memref<2097152xf32, #tpu.memory_space<hbm>>, %arg4: memref<262144xi32, #tpu.memory_space<hbm>>, %arg5: memref<32768xf32, #tpu.memory_space<vmem>>, %arg6: memref<32768xf32, #tpu.memory_space<vmem>>, %arg7: memref<4096xi32, #tpu.memory_space<vmem>>) attributes {dimension_semantics = [#tpu.dimension_semantics<core_parallel>, #tpu.dimension_semantics<subcore_parallel>], iteration_bounds = array<i64: 2, 16>, scalar_prefetch = 0 : i64, scratch_operands = 3 : i64, tpu.core_type = #tpu.core_type<sc_vector_subcore>, window_params = [{transform_indices = #map}, {transform_indices = #map}, {transform_indices = #map}]} {
    %mul3A = arith.constant 2 : i32
    %mul3A_0 = arith.muli %arg1, %mul3A : i32
    %add3A = arith.addi %mul3A_0, %arg0 : i32
    %mul3A_1 = arith.constant 1024 : i32
    %mul3A_2 = arith.muli %add3A, %mul3A_1 : i32
    %iota3A = tpu.iota {dimensions = array<i32: 0>} : vector<16xi32>
    %broadcast_in_dim3A = arith.constant 0.000000e+00 : f32
    %broadcast_in_dim3A_3 = vector.broadcast %broadcast_in_dim3A : f32 to vector<16xf32>
    %broadcast_in_dim3A_4 = arith.constant 0xFF800000 : f32
    %broadcast_in_dim3A_5 = vector.broadcast %broadcast_in_dim3A_4 : f32 to vector<16xf32>
    %broadcast_in_dim3A_6 = arith.constant 0 : i32
    %broadcast_in_dim3A_7 = vector.broadcast %broadcast_in_dim3A_6 : i32 to vector<16xi32>
    %scan3A = arith.constant 0 : i32
    %scan3A_8 = arith.constant 0 : i32
    %scan3A_9 = arith.constant 2 : i32
    %scan3A_10 = arith.addi %scan3A_8, %scan3A_9 : i32
    %scan3A_11 = arith.constant 1 : i32
    scf.for %scan3A_13 = %scan3A_8 to %scan3A_10 step %scan3A_11  : i32 {
      %mul3A_14 = arith.constant 512 : i32
      %mul3A_15 = arith.muli %scan3A_13, %mul3A_14 : i32
      %add3A_16 = arith.addi %mul3A_2, %mul3A_15 : i32
      %mul3A_17 = arith.constant 64 : i32
      %mul3A_18 = arith.muli %add3A_16, %mul3A_17 : i32
      "tpu.region"() ({
        %run_scoped3A = tpu.sem_alloc : memref<!tpu.dma_semaphore, #tpu.memory_space<semaphore_mem>>
        %dma_start3A = tpu.memref_slice %arg2[%mul3A_18] : memref<2097152xf32, #tpu.memory_space<hbm>> -> memref<32768xf32, #tpu.memory_space<hbm>>
        %dma_start3A_28 = tpu.memref_slice %arg2[%mul3A_18] : memref<2097152xf32, #tpu.memory_space<hbm>> -> memref<32768xf32, #tpu.memory_space<hbm>>
        tpu.enqueue_dma source(%dma_start3A_28 : memref<32768xf32, #tpu.memory_space<hbm>>) target(%arg5 : memref<32768xf32, #tpu.memory_space<vmem>>) target_semaphore(%run_scoped3A : memref<!tpu.dma_semaphore, #tpu.memory_space<semaphore_mem>>)
        %dma_wait3A = tpu.memref_slice %arg2[%mul3A_18] : memref<2097152xf32, #tpu.memory_space<hbm>> -> memref<32768xf32, #tpu.memory_space<hbm>>
        %dma_wait3A_29 = tpu.memref_slice %arg2[%mul3A_18] : memref<2097152xf32, #tpu.memory_space<hbm>> -> memref<32768xf32, #tpu.memory_space<hbm>>
        tpu.wait_dma2 semaphore(%run_scoped3A : memref<!tpu.dma_semaphore, #tpu.memory_space<semaphore_mem>>) src(%dma_wait3A_29 : memref<32768xf32, #tpu.memory_space<hbm>>) dst(%arg5 : memref<32768xf32, #tpu.memory_space<vmem>>)
        tpu.yield
      }) : () -> ()
      %parallel_loop3A = arith.constant 0 : i32
      %parallel_loop3A_19 = arith.constant 256 : i32
      %parallel_loop3A_20 = arith.constant 1 : i32
      scf.for %parallel_loop3A_28 = %parallel_loop3A to %parallel_loop3A_19 step %parallel_loop3A_20  : i32 {
        %parallel_loop3A_29 = arith.constant 128 : i32
        %parallel_loop3A_30 = arith.muli %parallel_loop3A_28, %parallel_loop3A_29 : i32
        %parallel_loop3A_31 = arith.constant 0 : i32
        %parallel_loop3A_32 = arith.addi %parallel_loop3A_30, %parallel_loop3A_31 : i32
        %parallel_loop3A_33 = arith.index_cast %parallel_loop3A_32 : i32 to index
        %parallel_loop3A_34 = tpu.vector_load %arg6[%parallel_loop3A_33] {strides = array<i32>} : memref<32768xf32, #tpu.memory_space<vmem>>, vector<16xf32>,
        tpu.vector_store %arg6[%parallel_loop3A_33], %broadcast_in_dim3A_3 {strides = array<i32>} : memref<32768xf32, #tpu.memory_space<vmem>>, vector<16xf32>,
        %parallel_loop3A_35 = arith.constant 128 : i32
        %parallel_loop3A_36 = arith.muli %parallel_loop3A_28, %parallel_loop3A_35 : i32
        %parallel_loop3A_37 = arith.constant 16 : i32
        %parallel_loop3A_38 = arith.addi %parallel_loop3A_36, %parallel_loop3A_37 : i32
        %parallel_loop3A_39 = arith.index_cast %parallel_loop3A_38 : i32 to index
        %parallel_loop3A_40 = tpu.vector_load %arg6[%parallel_loop3A_39] {strides = array<i32>} : memref<32768xf32, #tpu.memory_space<vmem>>, vector<16xf32>,
        tpu.vector_store %arg6[%parallel_loop3A_39], %broadcast_in_dim3A_3 {strides = array<i32>} : memref<32768xf32, #tpu.memory_space<vmem>>, vector<16xf32>,
        %parallel_loop3A_41 = arith.constant 128 : i32
        %parallel_loop3A_42 = arith.muli %parallel_loop3A_28, %parallel_loop3A_41 : i32
        %parallel_loop3A_43 = arith.constant 32 : i32
        %parallel_loop3A_44 = arith.addi %parallel_loop3A_42, %parallel_loop3A_43 : i32
        %parallel_loop3A_45 = arith.index_cast %parallel_loop3A_44 : i32 to index
        %parallel_loop3A_46 = tpu.vector_load %arg6[%parallel_loop3A_45] {strides = array<i32>} : memref<32768xf32, #tpu.memory_space<vmem>>, vector<16xf32>,
        tpu.vector_store %arg6[%parallel_loop3A_45], %broadcast_in_dim3A_3 {strides = array<i32>} : memref<32768xf32, #tpu.memory_space<vmem>>, vector<16xf32>,
        %parallel_loop3A_47 = arith.constant 128 : i32
        %parallel_loop3A_48 = arith.muli %parallel_loop3A_28, %parallel_loop3A_47 : i32
        %parallel_loop3A_49 = arith.constant 48 : i32
        %parallel_loop3A_50 = arith.addi %parallel_loop3A_48, %parallel_loop3A_49 : i32
        %parallel_loop3A_51 = arith.index_cast %parallel_loop3A_50 : i32 to index
        %parallel_loop3A_52 = tpu.vector_load %arg6[%parallel_loop3A_51] {strides = array<i32>} : memref<32768xf32, #tpu.memory_space<vmem>>, vector<16xf32>,
        tpu.vector_store %arg6[%parallel_loop3A_51], %broadcast_in_dim3A_3 {strides = array<i32>} : memref<32768xf32, #tpu.memory_space<vmem>>, vector<16xf32>,
        %parallel_loop3A_53 = arith.constant 128 : i32
        %parallel_loop3A_54 = arith.muli %parallel_loop3A_28, %parallel_loop3A_53 : i32
        %parallel_loop3A_55 = arith.constant 64 : i32
        %parallel_loop3A_56 = arith.addi %parallel_loop3A_54, %parallel_loop3A_55 : i32
        %parallel_loop3A_57 = arith.index_cast %parallel_loop3A_56 : i32 to index
        %parallel_loop3A_58 = tpu.vector_load %arg6[%parallel_loop3A_57] {strides = array<i32>} : memref<32768xf32, #tpu.memory_space<vmem>>, vector<16xf32>,
        tpu.vector_store %arg6[%parallel_loop3A_57], %broadcast_in_dim3A_3 {strides = array<i32>} : memref<32768xf32, #tpu.memory_space<vmem>>, vector<16xf32>,
        %parallel_loop3A_59 = arith.constant 128 : i32
        %parallel_loop3A_60 = arith.muli %parallel_loop3A_28, %parallel_loop3A_59 : i32
        %parallel_loop3A_61 = arith.constant 80 : i32
        %parallel_loop3A_62 = arith.addi %parallel_loop3A_60, %parallel_loop3A_61 : i32
        %parallel_loop3A_63 = arith.index_cast %parallel_loop3A_62 : i32 to index
        %parallel_loop3A_64 = tpu.vector_load %arg6[%parallel_loop3A_63] {strides = array<i32>} : memref<32768xf32, #tpu.memory_space<vmem>>, vector<16xf32>,
        tpu.vector_store %arg6[%parallel_loop3A_63], %broadcast_in_dim3A_3 {strides = array<i32>} : memref<32768xf32, #tpu.memory_space<vmem>>, vector<16xf32>,
        %parallel_loop3A_65 = arith.constant 128 : i32
        %parallel_loop3A_66 = arith.muli %parallel_loop3A_28, %parallel_loop3A_65 : i32
        %parallel_loop3A_67 = arith.constant 96 : i32
        %parallel_loop3A_68 = arith.addi %parallel_loop3A_66, %parallel_loop3A_67 : i32
        %parallel_loop3A_69 = arith.index_cast %parallel_loop3A_68 : i32 to index
        %parallel_loop3A_70 = tpu.vector_load %arg6[%parallel_loop3A_69] {strides = array<i32>} : memref<32768xf32, #tpu.memory_space<vmem>>, vector<16xf32>,
        tpu.vector_store %arg6[%parallel_loop3A_69], %broadcast_in_dim3A_3 {strides = array<i32>} : memref<32768xf32, #tpu.memory_space<vmem>>, vector<16xf32>,
        %parallel_loop3A_71 = arith.constant 128 : i32
        %parallel_loop3A_72 = arith.muli %parallel_loop3A_28, %parallel_loop3A_71 : i32
        %parallel_loop3A_73 = arith.constant 112 : i32
        %parallel_loop3A_74 = arith.addi %parallel_loop3A_72, %parallel_loop3A_73 : i32
        %parallel_loop3A_75 = arith.index_cast %parallel_loop3A_74 : i32 to index
        %parallel_loop3A_76 = tpu.vector_load %arg6[%parallel_loop3A_75] {strides = array<i32>} : memref<32768xf32, #tpu.memory_space<vmem>>, vector<16xf32>,
        tpu.vector_store %arg6[%parallel_loop3A_75], %broadcast_in_dim3A_3 {strides = array<i32>} : memref<32768xf32, #tpu.memory_space<vmem>>, vector<16xf32>,
      } {sc.loop_unroll_factor = 4 : i64, sc.parallel_access}
      %parallel_loop3A_21 = arith.constant 0 : i32
      %parallel_loop3A_22 = arith.constant 32 : i32
      %parallel_loop3A_23 = arith.constant 1 : i32
      scf.for %parallel_loop3A_28 = %parallel_loop3A_21 to %parallel_loop3A_22 step %parallel_loop3A_23  : i32 {
        %parallel_loop3A_29 = arith.constant 15 : i32
        %parallel_loop3A_30 = arith.andi %parallel_loop3A_28, %parallel_loop3A_29 : i32
        %parallel_loop3A_31 = arith.constant 16 : i32
        %parallel_loop3A_32 = arith.muli %parallel_loop3A_30, %parallel_loop3A_31 : i32
        %parallel_loop3A_33 = vector.broadcast %parallel_loop3A_32 : i32 to vector<16xi32>
        %parallel_loop3A_34 = arith.addi %parallel_loop3A_33, %iota3A : vector<16xi32>
        %parallel_loop3A_35 = arith.constant 128 : i32
        %parallel_loop3A_36 = vector.broadcast %parallel_loop3A_35 : i32 to vector<16xi32>
        %parallel_loop3A_37 = arith.muli %parallel_loop3A_34, %parallel_loop3A_36 : vector<16xi32>
        %parallel_loop3A_38 = arith.constant 4 : i32
        %parallel_loop3A_39 = arith.shrsi %parallel_loop3A_28, %parallel_loop3A_38 : i32
        %parallel_loop3A_40 = arith.constant 64 : i32
        %parallel_loop3A_41 = arith.muli %parallel_loop3A_39, %parallel_loop3A_40 : i32
        %parallel_loop3A_42 = vector.broadcast %parallel_loop3A_41 : i32 to vector<16xi32>
        %parallel_loop3A_43 = arith.addi %parallel_loop3A_37, %parallel_loop3A_42 : vector<16xi32>
        %parallel_loop3A_44 = arith.constant 0 : i32
        %parallel_loop3A_45 = arith.constant 8 : i32
        %parallel_loop3A_46 = arith.constant 1 : i32
        %parallel_loop3A_47:16 = scf.for %parallel_loop3A_129 = %parallel_loop3A_44 to %parallel_loop3A_45 step %parallel_loop3A_46 iter_args(%parallel_loop3A_130 = %broadcast_in_dim3A_5, %parallel_loop3A_131 = %broadcast_in_dim3A_5, %parallel_loop3A_132 = %broadcast_in_dim3A_5, %parallel_loop3A_133 = %broadcast_in_dim3A_5, %parallel_loop3A_134 = %broadcast_in_dim3A_5, %parallel_loop3A_135 = %broadcast_in_dim3A_5, %parallel_loop3A_136 = %broadcast_in_dim3A_5, %parallel_loop3A_137 = %broadcast_in_dim3A_5, %parallel_loop3A_138 = %broadcast_in_dim3A_7, %parallel_loop3A_139 = %broadcast_in_dim3A_7, %parallel_loop3A_140 = %broadcast_in_dim3A_7, %parallel_loop3A_141 = %broadcast_in_dim3A_7, %parallel_loop3A_142 = %broadcast_in_dim3A_7, %parallel_loop3A_143 = %broadcast_in_dim3A_7, %parallel_loop3A_144 = %broadcast_in_dim3A_7, %parallel_loop3A_145 = %broadcast_in_dim3A_7) -> (vector<16xf32>, vector<16xf32>, vector<16xf32>, vector<16xf32>, vector<16xf32>, vector<16xf32>, vector<16xf32>, vector<16xf32>, vector<16xi32>, vector<16xi32>, vector<16xi32>, vector<16xi32>, vector<16xi32>, vector<16xi32>, vector<16xi32>, vector<16xi32>)  : i32 {
          %parallel_loop3A_146 = arith.constant 8 : i32
          %parallel_loop3A_147 = arith.muli %parallel_loop3A_129, %parallel_loop3A_146 : i32
          %parallel_loop3A_148 = vector.broadcast %parallel_loop3A_147 : i32 to vector<16xi32>
          %parallel_loop3A_149 = arith.addi %broadcast_in_dim3A_7, %parallel_loop3A_148 : vector<16xi32>
          %parallel_loop3A_150 = arith.constant 8 : i32
          %parallel_loop3A_151 = arith.muli %parallel_loop3A_129, %parallel_loop3A_150 : i32
          %parallel_loop3A_152 = arith.constant 0 : i32
          %parallel_loop3A_153 = arith.addi %parallel_loop3A_151, %parallel_loop3A_152 : i32
          %parallel_loop3A_154 = vector.broadcast %parallel_loop3A_153 : i32 to vector<16xi32>
          %parallel_loop3A_155 = arith.addi %parallel_loop3A_43, %parallel_loop3A_154 : vector<16xi32>
          %parallel_loop3A_156 = tpu.vector_load_idx %arg5[%parallel_loop3A_155] : memref<32768xf32, #tpu.memory_space<vmem>>[vector<16xi32>], vector<16xf32>,
          %parallel_loop3A_157 = arith.constant 0 : i32
          %parallel_loop3A_158 = vector.broadcast %parallel_loop3A_157 : i32 to vector<16xi32>
          %parallel_loop3A_159 = arith.addi %parallel_loop3A_149, %parallel_loop3A_158 : vector<16xi32>
          %parallel_loop3A_160 = arith.cmpf ogt, %parallel_loop3A_156, %parallel_loop3A_130 : vector<16xf32>
          %parallel_loop3A_161 = arith.maximumf %parallel_loop3A_130, %parallel_loop3A_156 : vector<16xf32>
          %parallel_loop3A_162 = arith.minimumf %parallel_loop3A_130, %parallel_loop3A_156 : vector<16xf32>
          %parallel_loop3A_163 = arith.select %parallel_loop3A_160, %parallel_loop3A_159, %parallel_loop3A_138 : vector<16xi1>, vector<16xi32>
          %parallel_loop3A_164 = arith.select %parallel_loop3A_160, %parallel_loop3A_138, %parallel_loop3A_159 : vector<16xi1>, vector<16xi32>
          %parallel_loop3A_165 = arith.cmpf ogt, %parallel_loop3A_162, %parallel_loop3A_131 : vector<16xf32>
          %parallel_loop3A_166 = arith.maximumf %parallel_loop3A_131, %parallel_loop3A_162 : vector<16xf32>
          %parallel_loop3A_167 = arith.minimumf %parallel_loop3A_131, %parallel_loop3A_162 : vector<16xf32>
          %parallel_loop3A_168 = arith.select %parallel_loop3A_165, %parallel_loop3A_164, %parallel_loop3A_139 : vector<16xi1>, vector<16xi32>
          %parallel_loop3A_169 = arith.select %parallel_loop3A_165, %parallel_loop3A_139, %parallel_loop3A_164 : vector<16xi1>, vector<16xi32>
          %parallel_loop3A_170 = arith.cmpf ogt, %parallel_loop3A_167, %parallel_loop3A_132 : vector<16xf32>
          %parallel_loop3A_171 = arith.maximumf %parallel_loop3A_132, %parallel_loop3A_167 : vector<16xf32>
          %parallel_loop3A_172 = arith.minimumf %parallel_loop3A_132, %parallel_loop3A_167 : vector<16xf32>
          %parallel_loop3A_173 = arith.select %parallel_loop3A_170, %parallel_loop3A_169, %parallel_loop3A_140 : vector<16xi1>, vector<16xi32>
          %parallel_loop3A_174 = arith.select %parallel_loop3A_170, %parallel_loop3A_140, %parallel_loop3A_169 : vector<16xi1>, vector<16xi32>
          %parallel_loop3A_175 = arith.cmpf ogt, %parallel_loop3A_172, %parallel_loop3A_133 : vector<16xf32>
          %parallel_loop3A_176 = arith.maximumf %parallel_loop3A_133, %parallel_loop3A_172 : vector<16xf32>
          %parallel_loop3A_177 = arith.minimumf %parallel_loop3A_133, %parallel_loop3A_172 : vector<16xf32>
          %parallel_loop3A_178 = arith.select %parallel_loop3A_175, %parallel_loop3A_174, %parallel_loop3A_141 : vector<16xi1>, vector<16xi32>
          %parallel_loop3A_179 = arith.select %parallel_loop3A_175, %parallel_loop3A_141, %parallel_loop3A_174 : vector<16xi1>, vector<16xi32>
          %parallel_loop3A_180 = arith.cmpf ogt, %parallel_loop3A_177, %parallel_loop3A_134 : vector<16xf32>
          %parallel_loop3A_181 = arith.maximumf %parallel_loop3A_134, %parallel_loop3A_177 : vector<16xf32>
          %parallel_loop3A_182 = arith.minimumf %parallel_loop3A_134, %parallel_loop3A_177 : vector<16xf32>
          %parallel_loop3A_183 = arith.select %parallel_loop3A_180, %parallel_loop3A_179, %parallel_loop3A_142 : vector<16xi1>, vector<16xi32>
          %parallel_loop3A_184 = arith.select %parallel_loop3A_180, %parallel_loop3A_142, %parallel_loop3A_179 : vector<16xi1>, vector<16xi32>
          %parallel_loop3A_185 = arith.cmpf ogt, %parallel_loop3A_182, %parallel_loop3A_135 : vector<16xf32>
          %parallel_loop3A_186 = arith.maximumf %parallel_loop3A_135, %parallel_loop3A_182 : vector<16xf32>
          %parallel_loop3A_187 = arith.minimumf %parallel_loop3A_135, %parallel_loop3A_182 : vector<16xf32>
          %parallel_loop3A_188 = arith.select %parallel_loop3A_185, %parallel_loop3A_184, %parallel_loop3A_143 : vector<16xi1>, vector<16xi32>
          %parallel_loop3A_189 = arith.select %parallel_loop3A_185, %parallel_loop3A_143, %parallel_loop3A_184 : vector<16xi1>, vector<16xi32>
          %parallel_loop3A_190 = arith.cmpf ogt, %parallel_loop3A_187, %parallel_loop3A_136 : vector<16xf32>
          %parallel_loop3A_191 = arith.maximumf %parallel_loop3A_136, %parallel_loop3A_187 : vector<16xf32>
          %parallel_loop3A_192 = arith.minimumf %parallel_loop3A_136, %parallel_loop3A_187 : vector<16xf32>
          %parallel_loop3A_193 = arith.select %parallel_loop3A_190, %parallel_loop3A_189, %parallel_loop3A_144 : vector<16xi1>, vector<16xi32>
          %parallel_loop3A_194 = arith.select %parallel_loop3A_190, %parallel_loop3A_144, %parallel_loop3A_189 : vector<16xi1>, vector<16xi32>
          %parallel_loop3A_195 = arith.cmpf ogt, %parallel_loop3A_192, %parallel_loop3A_137 : vector<16xf32>
          %parallel_loop3A_196 = arith.maximumf %parallel_loop3A_137, %parallel_loop3A_192 : vector<16xf32>
          %parallel_loop3A_197 = arith.minimumf %parallel_loop3A_137, %parallel_loop3A_192 : vector<16xf32>
          %parallel_loop3A_198 = arith.select %parallel_loop3A_195, %parallel_loop3A_194, %parallel_loop3A_145 : vector<16xi1>, vector<16xi32>
          %parallel_loop3A_199 = arith.select %parallel_loop3A_195, %parallel_loop3A_145, %parallel_loop3A_194 : vector<16xi1>, vector<16xi32>
          %parallel_loop3A_200 = arith.constant 8 : i32
          %parallel_loop3A_201 = arith.muli %parallel_loop3A_129, %parallel_loop3A_200 : i32
          %parallel_loop3A_202 = arith.constant 1 : i32
          %parallel_loop3A_203 = arith.addi %parallel_loop3A_201, %parallel_loop3A_202 : i32
          %parallel_loop3A_204 = vector.broadcast %parallel_loop3A_203 : i32 to vector<16xi32>
          %parallel_loop3A_205 = arith.addi %parallel_loop3A_43, %parallel_loop3A_204 : vector<16xi32>
          %parallel_loop3A_206 = tpu.vector_load_idx %arg5[%parallel_loop3A_205] : memref<32768xf32, #tpu.memory_space<vmem>>[vector<16xi32>], vector<16xf32>,
          %parallel_loop3A_207 = arith.constant 1 : i32
          %parallel_loop3A_208 = vector.broadcast %parallel_loop3A_207 : i32 to vector<16xi32>
          %parallel_loop3A_209 = arith.addi %parallel_loop3A_149, %parallel_loop3A_208 : vector<16xi32>
          %parallel_loop3A_210 = arith.cmpf ogt, %parallel_loop3A_206, %parallel_loop3A_161 : vector<16xf32>
          %parallel_loop3A_211 = arith.maximumf %parallel_loop3A_161, %parallel_loop3A_206 : vector<16xf32>
          %parallel_loop3A_212 = arith.minimumf %parallel_loop3A_161, %parallel_loop3A_206 : vector<16xf32>
          %parallel_loop3A_213 = arith.select %parallel_loop3A_210, %parallel_loop3A_209, %parallel_loop3A_163 : vector<16xi1>, vector<16xi32>
          %parallel_loop3A_214 = arith.select %parallel_loop3A_210, %parallel_loop3A_163, %parallel_loop3A_209 : vector<16xi1>, vector<16xi32>
          %parallel_loop3A_215 = arith.cmpf ogt, %parallel_loop3A_212, %parallel_loop3A_166 : vector<16xf32>
          %parallel_loop3A_216 = arith.maximumf %parallel_loop3A_166, %parallel_loop3A_212 : vector<16xf32>
          %parallel_loop3A_217 = arith.minimumf %parallel_loop3A_166, %parallel_loop3A_212 : vector<16xf32>
          %parallel_loop3A_218 = arith.select %parallel_loop3A_215, %parallel_loop3A_214, %parallel_loop3A_168 : vector<16xi1>, vector<16xi32>
          %parallel_loop3A_219 = arith.select %parallel_loop3A_215, %parallel_loop3A_168, %parallel_loop3A_214 : vector<16xi1>, vector<16xi32>
          %parallel_loop3A_220 = arith.cmpf ogt, %parallel_loop3A_217, %parallel_loop3A_171 : vector<16xf32>
          %parallel_loop3A_221 = arith.maximumf %parallel_loop3A_171, %parallel_loop3A_217 : vector<16xf32>
          %parallel_loop3A_222 = arith.minimumf %parallel_loop3A_171, %parallel_loop3A_217 : vector<16xf32>
          %parallel_loop3A_223 = arith.select %parallel_loop3A_220, %parallel_loop3A_219, %parallel_loop3A_173 : vector<16xi1>, vector<16xi32>
          %parallel_loop3A_224 = arith.select %parallel_loop3A_220, %parallel_loop3A_173, %parallel_loop3A_219 : vector<16xi1>, vector<16xi32>
          %parallel_loop3A_225 = arith.cmpf ogt, %parallel_loop3A_222, %parallel_loop3A_176 : vector<16xf32>
          %parallel_loop3A_226 = arith.maximumf %parallel_loop3A_176, %parallel_loop3A_222 : vector<16xf32>
          %parallel_loop3A_227 = arith.minimumf %parallel_loop3A_176, %parallel_loop3A_222 : vector<16xf32>
          %parallel_loop3A_228 = arith.select %parallel_loop3A_225, %parallel_loop3A_224, %parallel_loop3A_178 : vector<16xi1>, vector<16xi32>
          %parallel_loop3A_229 = arith.select %parallel_loop3A_225, %parallel_loop3A_178, %parallel_loop3A_224 : vector<16xi1>, vector<16xi32>
          %parallel_loop3A_230 = arith.cmpf ogt, %parallel_loop3A_227, %parallel_loop3A_181 : vector<16xf32>
          %parallel_loop3A_231 = arith.maximumf %parallel_loop3A_181, %parallel_loop3A_227 : vector<16xf32>
          %parallel_loop3A_232 = arith.minimumf %parallel_loop3A_181, %parallel_loop3A_227 : vector<16xf32>
          %parallel_loop3A_233 = arith.select %parallel_loop3A_230, %parallel_loop3A_229, %parallel_loop3A_183 : vector<16xi1>, vector<16xi32>
          %parallel_loop3A_234 = arith.select %parallel_loop3A_230, %parallel_loop3A_183, %parallel_loop3A_229 : vector<16xi1>, vector<16xi32>
          %parallel_loop3A_235 = arith.cmpf ogt, %parallel_loop3A_232, %parallel_loop3A_186 : vector<16xf32>
          %parallel_loop3A_236 = arith.maximumf %parallel_loop3A_186, %parallel_loop3A_232 : vector<16xf32>
          %parallel_loop3A_237 = arith.minimumf %parallel_loop3A_186, %parallel_loop3A_232 : vector<16xf32>
          %parallel_loop3A_238 = arith.select %parallel_loop3A_235, %parallel_loop3A_234, %parallel_loop3A_188 : vector<16xi1>, vector<16xi32>
          %parallel_loop3A_239 = arith.select %parallel_loop3A_235, %parallel_loop3A_188, %parallel_loop3A_234 : vector<16xi1>, vector<16xi32>
          %parallel_loop3A_240 = arith.cmpf ogt, %parallel_loop3A_237, %parallel_loop3A_191 : vector<16xf32>
          %parallel_loop3A_241 = arith.maximumf %parallel_loop3A_191, %parallel_loop3A_237 : vector<16xf32>
          %parallel_loop3A_242 = arith.minimumf %parallel_loop3A_191, %parallel_loop3A_237 : vector<16xf32>
          %parallel_loop3A_243 = arith.select %parallel_loop3A_240, %parallel_loop3A_239, %parallel_loop3A_193 : vector<16xi1>, vector<16xi32>
          %parallel_loop3A_244 = arith.select %parallel_loop3A_240, %parallel_loop3A_193, %parallel_loop3A_239 : vector<16xi1>, vector<16xi32>
          %parallel_loop3A_245 = arith.cmpf ogt, %parallel_loop3A_242, %parallel_loop3A_196 : vector<16xf32>
          %parallel_loop3A_246 = arith.maximumf %parallel_loop3A_196, %parallel_loop3A_242 : vector<16xf32>
          %parallel_loop3A_247 = arith.minimumf %parallel_loop3A_196, %parallel_loop3A_242 : vector<16xf32>
          %parallel_loop3A_248 = arith.select %parallel_loop3A_245, %parallel_loop3A_244, %parallel_loop3A_198 : vector<16xi1>, vector<16xi32>
          %parallel_loop3A_249 = arith.select %parallel_loop3A_245, %parallel_loop3A_198, %parallel_loop3A_244 : vector<16xi1>, vector<16xi32>
          %parallel_loop3A_250 = arith.constant 8 : i32
          %parallel_loop3A_251 = arith.muli %parallel_loop3A_129, %parallel_loop3A_250 : i32
          %parallel_loop3A_252 = arith.constant 2 : i32
          %parallel_loop3A_253 = arith.addi %parallel_loop3A_251, %parallel_loop3A_252 : i32
          %parallel_loop3A_254 = vector.broadcast %parallel_loop3A_253 : i32 to vector<16xi32>
          %parallel_loop3A_255 = arith.addi %parallel_loop3A_43, %parallel_loop3A_254 : vector<16xi32>
          %parallel_loop3A_256 = tpu.vector_load_idx %arg5[%parallel_loop3A_255] : memref<32768xf32, #tpu.memory_space<vmem>>[vector<16xi32>], vector<16xf32>,
          %parallel_loop3A_257 = arith.constant 2 : i32
          %parallel_loop3A_258 = vector.broadcast %parallel_loop3A_257 : i32 to vector<16xi32>
          %parallel_loop3A_259 = arith.addi %parallel_loop3A_149, %parallel_loop3A_258 : vector<16xi32>
          %parallel_loop3A_260 = arith.cmpf ogt, %parallel_loop3A_256, %parallel_loop3A_211 : vector<16xf32>
          %parallel_loop3A_261 = arith.maximumf %parallel_loop3A_211, %parallel_loop3A_256 : vector<16xf32>
          %parallel_loop3A_262 = arith.minimumf %parallel_loop3A_211, %parallel_loop3A_256 : vector<16xf32>
          %parallel_loop3A_263 = arith.select %parallel_loop3A_260, %parallel_loop3A_259, %parallel_loop3A_213 : vector<16xi1>, vector<16xi32>
          %parallel_loop3A_264 = arith.select %parallel_loop3A_260, %parallel_loop3A_213, %parallel_loop3A_259 : vector<16xi1>, vector<16xi32>
          %parallel_loop3A_265 = arith.cmpf ogt, %parallel_loop3A_262, %parallel_loop3A_216 : vector<16xf32>
          %parallel_loop3A_266 = arith.maximumf %parallel_loop3A_216, %parallel_loop3A_262 : vector<16xf32>
          %parallel_loop3A_267 = arith.minimumf %parallel_loop3A_216, %parallel_loop3A_262 : vector<16xf32>
          %parallel_loop3A_268 = arith.select %parallel_loop3A_265, %parallel_loop3A_264, %parallel_loop3A_218 : vector<16xi1>, vector<16xi32>
          %parallel_loop3A_269 = arith.select %parallel_loop3A_265, %parallel_loop3A_218, %parallel_loop3A_264 : vector<16xi1>, vector<16xi32>
          %parallel_loop3A_270 = arith.cmpf ogt, %parallel_loop3A_267, %parallel_loop3A_221 : vector<16xf32>
          %parallel_loop3A_271 = arith.maximumf %parallel_loop3A_221, %parallel_loop3A_267 : vector<16xf32>
          %parallel_loop3A_272 = arith.minimumf %parallel_loop3A_221, %parallel_loop3A_267 : vector<16xf32>
          %parallel_loop3A_273 = arith.select %parallel_loop3A_270, %parallel_loop3A_269, %parallel_loop3A_223 : vector<16xi1>, vector<16xi32>
          %parallel_loop3A_274 = arith.select %parallel_loop3A_270, %parallel_loop3A_223, %parallel_loop3A_269 : vector<16xi1>, vector<16xi32>
          %parallel_loop3A_275 = arith.cmpf ogt, %parallel_loop3A_272, %parallel_loop3A_226 : vector<16xf32>
          %parallel_loop3A_276 = arith.maximumf %parallel_loop3A_226, %parallel_loop3A_272 : vector<16xf32>
          %parallel_loop3A_277 = arith.minimumf %parallel_loop3A_226, %parallel_loop3A_272 : vector<16xf32>
          %parallel_loop3A_278 = arith.select %parallel_loop3A_275, %parallel_loop3A_274, %parallel_loop3A_228 : vector<16xi1>, vector<16xi32>
          %parallel_loop3A_279 = arith.select %parallel_loop3A_275, %parallel_loop3A_228, %parallel_loop3A_274 : vector<16xi1>, vector<16xi32>
          %parallel_loop3A_280 = arith.cmpf ogt, %parallel_loop3A_277, %parallel_loop3A_231 : vector<16xf32>
          %parallel_loop3A_281 = arith.maximumf %parallel_loop3A_231, %parallel_loop3A_277 : vector<16xf32>
          %parallel_loop3A_282 = arith.minimumf %parallel_loop3A_231, %parallel_loop3A_277 : vector<16xf32>
          %parallel_loop3A_283 = arith.select %parallel_loop3A_280, %parallel_loop3A_279, %parallel_loop3A_233 : vector<16xi1>, vector<16xi32>
          %parallel_loop3A_284 = arith.select %parallel_loop3A_280, %parallel_loop3A_233, %parallel_loop3A_279 : vector<16xi1>, vector<16xi32>
          %parallel_loop3A_285 = arith.cmpf ogt, %parallel_loop3A_282, %parallel_loop3A_236 : vector<16xf32>
          %parallel_loop3A_286 = arith.maximumf %parallel_loop3A_236, %parallel_loop3A_282 : vector<16xf32>
          %parallel_loop3A_287 = arith.minimumf %parallel_loop3A_236, %parallel_loop3A_282 : vector<16xf32>
          %parallel_loop3A_288 = arith.select %parallel_loop3A_285, %parallel_loop3A_284, %parallel_loop3A_238 : vector<16xi1>, vector<16xi32>
          %parallel_loop3A_289 = arith.select %parallel_loop3A_285, %parallel_loop3A_238, %parallel_loop3A_284 : vector<16xi1>, vector<16xi32>
          %parallel_loop3A_290 = arith.cmpf ogt, %parallel_loop3A_287, %parallel_loop3A_241 : vector<16xf32>
          %parallel_loop3A_291 = arith.maximumf %parallel_loop3A_241, %parallel_loop3A_287 : vector<16xf32>
          %parallel_loop3A_292 = arith.minimumf %parallel_loop3A_241, %parallel_loop3A_287 : vector<16xf32>
          %parallel_loop3A_293 = arith.select %parallel_loop3A_290, %parallel_loop3A_289, %parallel_loop3A_243 : vector<16xi1>, vector<16xi32>
          %parallel_loop3A_294 = arith.select %parallel_loop3A_290, %parallel_loop3A_243, %parallel_loop3A_289 : vector<16xi1>, vector<16xi32>
          %parallel_loop3A_295 = arith.cmpf ogt, %parallel_loop3A_292, %parallel_loop3A_246 : vector<16xf32>
          %parallel_loop3A_296 = arith.maximumf %parallel_loop3A_246, %parallel_loop3A_292 : vector<16xf32>
          %parallel_loop3A_297 = arith.minimumf %parallel_loop3A_246, %parallel_loop3A_292 : vector<16xf32>
          %parallel_loop3A_298 = arith.select %parallel_loop3A_295, %parallel_loop3A_294, %parallel_loop3A_248 : vector<16xi1>, vector<16xi32>
          %parallel_loop3A_299 = arith.select %parallel_loop3A_295, %parallel_loop3A_248, %parallel_loop3A_294 : vector<16xi1>, vector<16xi32>
          %parallel_loop3A_300 = arith.constant 8 : i32
          %parallel_loop3A_301 = arith.muli %parallel_loop3A_129, %parallel_loop3A_300 : i32
          %parallel_loop3A_302 = arith.constant 3 : i32
          %parallel_loop3A_303 = arith.addi %parallel_loop3A_301, %parallel_loop3A_302 : i32
          %parallel_loop3A_304 = vector.broadcast %parallel_loop3A_303 : i32 to vector<16xi32>
          %parallel_loop3A_305 = arith.addi %parallel_loop3A_43, %parallel_loop3A_304 : vector<16xi32>
          %parallel_loop3A_306 = tpu.vector_load_idx %arg5[%parallel_loop3A_305] : memref<32768xf32, #tpu.memory_space<vmem>>[vector<16xi32>], vector<16xf32>,
          %parallel_loop3A_307 = arith.constant 3 : i32
          %parallel_loop3A_308 = vector.broadcast %parallel_loop3A_307 : i32 to vector<16xi32>
          %parallel_loop3A_309 = arith.addi %parallel_loop3A_149, %parallel_loop3A_308 : vector<16xi32>
          %parallel_loop3A_310 = arith.cmpf ogt, %parallel_loop3A_306, %parallel_loop3A_261 : vector<16xf32>
          %parallel_loop3A_311 = arith.maximumf %parallel_loop3A_261, %parallel_loop3A_306 : vector<16xf32>
          %parallel_loop3A_312 = arith.minimumf %parallel_loop3A_261, %parallel_loop3A_306 : vector<16xf32>
          %parallel_loop3A_313 = arith.select %parallel_loop3A_310, %parallel_loop3A_309, %parallel_loop3A_263 : vector<16xi1>, vector<16xi32>
          %parallel_loop3A_314 = arith.select %parallel_loop3A_310, %parallel_loop3A_263, %parallel_loop3A_309 : vector<16xi1>, vector<16xi32>
          %parallel_loop3A_315 = arith.cmpf ogt, %parallel_loop3A_312, %parallel_loop3A_266 : vector<16xf32>
          %parallel_loop3A_316 = arith.maximumf %parallel_loop3A_266, %parallel_loop3A_312 : vector<16xf32>
          %parallel_loop3A_317 = arith.minimumf %parallel_loop3A_266, %parallel_loop3A_312 : vector<16xf32>
          %parallel_loop3A_318 = arith.select %parallel_loop3A_315, %parallel_loop3A_314, %parallel_loop3A_268 : vector<16xi1>, vector<16xi32>
          %parallel_loop3A_319 = arith.select %parallel_loop3A_315, %parallel_loop3A_268, %parallel_loop3A_314 : vector<16xi1>, vector<16xi32>
          %parallel_loop3A_320 = arith.cmpf ogt, %parallel_loop3A_317, %parallel_loop3A_271 : vector<16xf32>
          %parallel_loop3A_321 = arith.maximumf %parallel_loop3A_271, %parallel_loop3A_317 : vector<16xf32>
          %parallel_loop3A_322 = arith.minimumf %parallel_loop3A_271, %parallel_loop3A_317 : vector<16xf32>
          %parallel_loop3A_323 = arith.select %parallel_loop3A_320, %parallel_loop3A_319, %parallel_loop3A_273 : vector<16xi1>, vector<16xi32>
          %parallel_loop3A_324 = arith.select %parallel_loop3A_320, %parallel_loop3A_273, %parallel_loop3A_319 : vector<16xi1>, vector<16xi32>
          %parallel_loop3A_325 = arith.cmpf ogt, %parallel_loop3A_322, %parallel_loop3A_276 : vector<16xf32>
          %parallel_loop3A_326 = arith.maximumf %parallel_loop3A_276, %parallel_loop3A_322 : vector<16xf32>
          %parallel_loop3A_327 = arith.minimumf %parallel_loop3A_276, %parallel_loop3A_322 : vector<16xf32>
          %parallel_loop3A_328 = arith.select %parallel_loop3A_325, %parallel_loop3A_324, %parallel_loop3A_278 : vector<16xi1>, vector<16xi32>
          %parallel_loop3A_329 = arith.select %parallel_loop3A_325, %parallel_loop3A_278, %parallel_loop3A_324 : vector<16xi1>, vector<16xi32>
          %parallel_loop3A_330 = arith.cmpf ogt, %parallel_loop3A_327, %parallel_loop3A_281 : vector<16xf32>
          %parallel_loop3A_331 = arith.maximumf %parallel_loop3A_281, %parallel_loop3A_327 : vector<16xf32>
          %parallel_loop3A_332 = arith.minimumf %parallel_loop3A_281, %parallel_loop3A_327 : vector<16xf32>
          %parallel_loop3A_333 = arith.select %parallel_loop3A_330, %parallel_loop3A_329, %parallel_loop3A_283 : vector<16xi1>, vector<16xi32>
          %parallel_loop3A_334 = arith.select %parallel_loop3A_330, %parallel_loop3A_283, %parallel_loop3A_329 : vector<16xi1>, vector<16xi32>
          %parallel_loop3A_335 = arith.cmpf ogt, %parallel_loop3A_332, %parallel_loop3A_286 : vector<16xf32>
          %parallel_loop3A_336 = arith.maximumf %parallel_loop3A_286, %parallel_loop3A_332 : vector<16xf32>
          %parallel_loop3A_337 = arith.minimumf %parallel_loop3A_286, %parallel_loop3A_332 : vector<16xf32>
          %parallel_loop3A_338 = arith.select %parallel_loop3A_335, %parallel_loop3A_334, %parallel_loop3A_288 : vector<16xi1>, vector<16xi32>
          %parallel_loop3A_339 = arith.select %parallel_loop3A_335, %parallel_loop3A_288, %parallel_loop3A_334 : vector<16xi1>, vector<16xi32>
          %parallel_loop3A_340 = arith.cmpf ogt, %parallel_loop3A_337, %parallel_loop3A_291 : vector<16xf32>
          %parallel_loop3A_341 = arith.maximumf %parallel_loop3A_291, %parallel_loop3A_337 : vector<16xf32>
          %parallel_loop3A_342 = arith.minimumf %parallel_loop3A_291, %parallel_loop3A_337 : vector<16xf32>
          %parallel_loop3A_343 = arith.select %parallel_loop3A_340, %parallel_loop3A_339, %parallel_loop3A_293 : vector<16xi1>, vector<16xi32>
          %parallel_loop3A_344 = arith.select %parallel_loop3A_340, %parallel_loop3A_293, %parallel_loop3A_339 : vector<16xi1>, vector<16xi32>
          %parallel_loop3A_345 = arith.cmpf ogt, %parallel_loop3A_342, %parallel_loop3A_296 : vector<16xf32>
          %parallel_loop3A_346 = arith.maximumf %parallel_loop3A_296, %parallel_loop3A_342 : vector<16xf32>
          %parallel_loop3A_347 = arith.minimumf %parallel_loop3A_296, %parallel_loop3A_342 : vector<16xf32>
          %parallel_loop3A_348 = arith.select %parallel_loop3A_345, %parallel_loop3A_344, %parallel_loop3A_298 : vector<16xi1>, vector<16xi32>
          %parallel_loop3A_349 = arith.select %parallel_loop3A_345, %parallel_loop3A_298, %parallel_loop3A_344 : vector<16xi1>, vector<16xi32>
          %parallel_loop3A_350 = arith.constant 8 : i32
          %parallel_loop3A_351 = arith.muli %parallel_loop3A_129, %parallel_loop3A_350 : i32
          %parallel_loop3A_352 = arith.constant 4 : i32
          %parallel_loop3A_353 = arith.addi %parallel_loop3A_351, %parallel_loop3A_352 : i32
          %parallel_loop3A_354 = vector.broadcast %parallel_loop3A_353 : i32 to vector<16xi32>
          %parallel_loop3A_355 = arith.addi %parallel_loop3A_43, %parallel_loop3A_354 : vector<16xi32>
          %parallel_loop3A_356 = tpu.vector_load_idx %arg5[%parallel_loop3A_355] : memref<32768xf32, #tpu.memory_space<vmem>>[vector<16xi32>], vector<16xf32>,
          %parallel_loop3A_357 = arith.constant 4 : i32
          %parallel_loop3A_358 = vector.broadcast %parallel_loop3A_357 : i32 to vector<16xi32>
          %parallel_loop3A_359 = arith.addi %parallel_loop3A_149, %parallel_loop3A_358 : vector<16xi32>
          %parallel_loop3A_360 = arith.cmpf ogt, %parallel_loop3A_356, %parallel_loop3A_311 : vector<16xf32>
          %parallel_loop3A_361 = arith.maximumf %parallel_loop3A_311, %parallel_loop3A_356 : vector<16xf32>
          %parallel_loop3A_362 = arith.minimumf %parallel_loop3A_311, %parallel_loop3A_356 : vector<16xf32>
          %parallel_loop3A_363 = arith.select %parallel_loop3A_360, %parallel_loop3A_359, %parallel_loop3A_313 : vector<16xi1>, vector<16xi32>
          %parallel_loop3A_364 = arith.select %parallel_loop3A_360, %parallel_loop3A_313, %parallel_loop3A_359 : vector<16xi1>, vector<16xi32>
          %parallel_loop3A_365 = arith.cmpf ogt, %parallel_loop3A_362, %parallel_loop3A_316 : vector<16xf32>
          %parallel_loop3A_366 = arith.maximumf %parallel_loop3A_316, %parallel_loop3A_362 : vector<16xf32>
          %parallel_loop3A_367 = arith.minimumf %parallel_loop3A_316, %parallel_loop3A_362 : vector<16xf32>
          %parallel_loop3A_368 = arith.select %parallel_loop3A_365, %parallel_loop3A_364, %parallel_loop3A_318 : vector<16xi1>, vector<16xi32>
          %parallel_loop3A_369 = arith.select %parallel_loop3A_365, %parallel_loop3A_318, %parallel_loop3A_364 : vector<16xi1>, vector<16xi32>
          %parallel_loop3A_370 = arith.cmpf ogt, %parallel_loop3A_367, %parallel_loop3A_321 : vector<16xf32>
          %parallel_loop3A_371 = arith.maximumf %parallel_loop3A_321, %parallel_loop3A_367 : vector<16xf32>
          %parallel_loop3A_372 = arith.minimumf %parallel_loop3A_321, %parallel_loop3A_367 : vector<16xf32>
          %parallel_loop3A_373 = arith.select %parallel_loop3A_370, %parallel_loop3A_369, %parallel_loop3A_323 : vector<16xi1>, vector<16xi32>
          %parallel_loop3A_374 = arith.select %parallel_loop3A_370, %parallel_loop3A_323, %parallel_loop3A_369 : vector<16xi1>, vector<16xi32>
          %parallel_loop3A_375 = arith.cmpf ogt, %parallel_loop3A_372, %parallel_loop3A_326 : vector<16xf32>
          %parallel_loop3A_376 = arith.maximumf %parallel_loop3A_326, %parallel_loop3A_372 : vector<16xf32>
          %parallel_loop3A_377 = arith.minimumf %parallel_loop3A_326, %parallel_loop3A_372 : vector<16xf32>
          %parallel_loop3A_378 = arith.select %parallel_loop3A_375, %parallel_loop3A_374, %parallel_loop3A_328 : vector<16xi1>, vector<16xi32>
          %parallel_loop3A_379 = arith.select %parallel_loop3A_375, %parallel_loop3A_328, %parallel_loop3A_374 : vector<16xi1>, vector<16xi32>
          %parallel_loop3A_380 = arith.cmpf ogt, %parallel_loop3A_377, %parallel_loop3A_331 : vector<16xf32>
          %parallel_loop3A_381 = arith.maximumf %parallel_loop3A_331, %parallel_loop3A_377 : vector<16xf32>
          %parallel_loop3A_382 = arith.minimumf %parallel_loop3A_331, %parallel_loop3A_377 : vector<16xf32>
          %parallel_loop3A_383 = arith.select %parallel_loop3A_380, %parallel_loop3A_379, %parallel_loop3A_333 : vector<16xi1>, vector<16xi32>
          %parallel_loop3A_384 = arith.select %parallel_loop3A_380, %parallel_loop3A_333, %parallel_loop3A_379 : vector<16xi1>, vector<16xi32>
          %parallel_loop3A_385 = arith.cmpf ogt, %parallel_loop3A_382, %parallel_loop3A_336 : vector<16xf32>
          %parallel_loop3A_386 = arith.maximumf %parallel_loop3A_336, %parallel_loop3A_382 : vector<16xf32>
          %parallel_loop3A_387 = arith.minimumf %parallel_loop3A_336, %parallel_loop3A_382 : vector<16xf32>
          %parallel_loop3A_388 = arith.select %parallel_loop3A_385, %parallel_loop3A_384, %parallel_loop3A_338 : vector<16xi1>, vector<16xi32>
          %parallel_loop3A_389 = arith.select %parallel_loop3A_385, %parallel_loop3A_338, %parallel_loop3A_384 : vector<16xi1>, vector<16xi32>
          %parallel_loop3A_390 = arith.cmpf ogt, %parallel_loop3A_387, %parallel_loop3A_341 : vector<16xf32>
          %parallel_loop3A_391 = arith.maximumf %parallel_loop3A_341, %parallel_loop3A_387 : vector<16xf32>
          %parallel_loop3A_392 = arith.minimumf %parallel_loop3A_341, %parallel_loop3A_387 : vector<16xf32>
          %parallel_loop3A_393 = arith.select %parallel_loop3A_390, %parallel_loop3A_389, %parallel_loop3A_343 : vector<16xi1>, vector<16xi32>
          %parallel_loop3A_394 = arith.select %parallel_loop3A_390, %parallel_loop3A_343, %parallel_loop3A_389 : vector<16xi1>, vector<16xi32>
          %parallel_loop3A_395 = arith.cmpf ogt, %parallel_loop3A_392, %parallel_loop3A_346 : vector<16xf32>
          %parallel_loop3A_396 = arith.maximumf %parallel_loop3A_346, %parallel_loop3A_392 : vector<16xf32>
          %parallel_loop3A_397 = arith.minimumf %parallel_loop3A_346, %parallel_loop3A_392 : vector<16xf32>
          %parallel_loop3A_398 = arith.select %parallel_loop3A_395, %parallel_loop3A_394, %parallel_loop3A_348 : vector<16xi1>, vector<16xi32>
          %parallel_loop3A_399 = arith.select %parallel_loop3A_395, %parallel_loop3A_348, %parallel_loop3A_394 : vector<16xi1>, vector<16xi32>
          %parallel_loop3A_400 = arith.constant 8 : i32
          %parallel_loop3A_401 = arith.muli %parallel_loop3A_129, %parallel_loop3A_400 : i32
          %parallel_loop3A_402 = arith.constant 5 : i32
          %parallel_loop3A_403 = arith.addi %parallel_loop3A_401, %parallel_loop3A_402 : i32
          %parallel_loop3A_404 = vector.broadcast %parallel_loop3A_403 : i32 to vector<16xi32>
          %parallel_loop3A_405 = arith.addi %parallel_loop3A_43, %parallel_loop3A_404 : vector<16xi32>
          %parallel_loop3A_406 = tpu.vector_load_idx %arg5[%parallel_loop3A_405] : memref<32768xf32, #tpu.memory_space<vmem>>[vector<16xi32>], vector<16xf32>,
          %parallel_loop3A_407 = arith.constant 5 : i32
          %parallel_loop3A_408 = vector.broadcast %parallel_loop3A_407 : i32 to vector<16xi32>
          %parallel_loop3A_409 = arith.addi %parallel_loop3A_149, %parallel_loop3A_408 : vector<16xi32>
          %parallel_loop3A_410 = arith.cmpf ogt, %parallel_loop3A_406, %parallel_loop3A_361 : vector<16xf32>
          %parallel_loop3A_411 = arith.maximumf %parallel_loop3A_361, %parallel_loop3A_406 : vector<16xf32>
          %parallel_loop3A_412 = arith.minimumf %parallel_loop3A_361, %parallel_loop3A_406 : vector<16xf32>
          %parallel_loop3A_413 = arith.select %parallel_loop3A_410, %parallel_loop3A_409, %parallel_loop3A_363 : vector<16xi1>, vector<16xi32>
          %parallel_loop3A_414 = arith.select %parallel_loop3A_410, %parallel_loop3A_363, %parallel_loop3A_409 : vector<16xi1>, vector<16xi32>
          %parallel_loop3A_415 = arith.cmpf ogt, %parallel_loop3A_412, %parallel_loop3A_366 : vector<16xf32>
          %parallel_loop3A_416 = arith.maximumf %parallel_loop3A_366, %parallel_loop3A_412 : vector<16xf32>
          %parallel_loop3A_417 = arith.minimumf %parallel_loop3A_366, %parallel_loop3A_412 : vector<16xf32>
          %parallel_loop3A_418 = arith.select %parallel_loop3A_415, %parallel_loop3A_414, %parallel_loop3A_368 : vector<16xi1>, vector<16xi32>
          %parallel_loop3A_419 = arith.select %parallel_loop3A_415, %parallel_loop3A_368, %parallel_loop3A_414 : vector<16xi1>, vector<16xi32>
          %parallel_loop3A_420 = arith.cmpf ogt, %parallel_loop3A_417, %parallel_loop3A_371 : vector<16xf32>
          %parallel_loop3A_421 = arith.maximumf %parallel_loop3A_371, %parallel_loop3A_417 : vector<16xf32>
          %parallel_loop3A_422 = arith.minimumf %parallel_loop3A_371, %parallel_loop3A_417 : vector<16xf32>
          %parallel_loop3A_423 = arith.select %parallel_loop3A_420, %parallel_loop3A_419, %parallel_loop3A_373 : vector<16xi1>, vector<16xi32>
          %parallel_loop3A_424 = arith.select %parallel_loop3A_420, %parallel_loop3A_373, %parallel_loop3A_419 : vector<16xi1>, vector<16xi32>
          %parallel_loop3A_425 = arith.cmpf ogt, %parallel_loop3A_422, %parallel_loop3A_376 : vector<16xf32>
          %parallel_loop3A_426 = arith.maximumf %parallel_loop3A_376, %parallel_loop3A_422 : vector<16xf32>
          %parallel_loop3A_427 = arith.minimumf %parallel_loop3A_376, %parallel_loop3A_422 : vector<16xf32>
          %parallel_loop3A_428 = arith.select %parallel_loop3A_425, %parallel_loop3A_424, %parallel_loop3A_378 : vector<16xi1>, vector<16xi32>
          %parallel_loop3A_429 = arith.select %parallel_loop3A_425, %parallel_loop3A_378, %parallel_loop3A_424 : vector<16xi1>, vector<16xi32>
          %parallel_loop3A_430 = arith.cmpf ogt, %parallel_loop3A_427, %parallel_loop3A_381 : vector<16xf32>
          %parallel_loop3A_431 = arith.maximumf %parallel_loop3A_381, %parallel_loop3A_427 : vector<16xf32>
          %parallel_loop3A_432 = arith.minimumf %parallel_loop3A_381, %parallel_loop3A_427 : vector<16xf32>
          %parallel_loop3A_433 = arith.select %parallel_loop3A_430, %parallel_loop3A_429, %parallel_loop3A_383 : vector<16xi1>, vector<16xi32>
          %parallel_loop3A_434 = arith.select %parallel_loop3A_430, %parallel_loop3A_383, %parallel_loop3A_429 : vector<16xi1>, vector<16xi32>
          %parallel_loop3A_435 = arith.cmpf ogt, %parallel_loop3A_432, %parallel_loop3A_386 : vector<16xf32>
          %parallel_loop3A_436 = arith.maximumf %parallel_loop3A_386, %parallel_loop3A_432 : vector<16xf32>
          %parallel_loop3A_437 = arith.minimumf %parallel_loop3A_386, %parallel_loop3A_432 : vector<16xf32>
          %parallel_loop3A_438 = arith.select %parallel_loop3A_435, %parallel_loop3A_434, %parallel_loop3A_388 : vector<16xi1>, vector<16xi32>
          %parallel_loop3A_439 = arith.select %parallel_loop3A_435, %parallel_loop3A_388, %parallel_loop3A_434 : vector<16xi1>, vector<16xi32>
          %parallel_loop3A_440 = arith.cmpf ogt, %parallel_loop3A_437, %parallel_loop3A_391 : vector<16xf32>
          %parallel_loop3A_441 = arith.maximumf %parallel_loop3A_391, %parallel_loop3A_437 : vector<16xf32>
          %parallel_loop3A_442 = arith.minimumf %parallel_loop3A_391, %parallel_loop3A_437 : vector<16xf32>
          %parallel_loop3A_443 = arith.select %parallel_loop3A_440, %parallel_loop3A_439, %parallel_loop3A_393 : vector<16xi1>, vector<16xi32>
          %parallel_loop3A_444 = arith.select %parallel_loop3A_440, %parallel_loop3A_393, %parallel_loop3A_439 : vector<16xi1>, vector<16xi32>
          %parallel_loop3A_445 = arith.cmpf ogt, %parallel_loop3A_442, %parallel_loop3A_396 : vector<16xf32>
          %parallel_loop3A_446 = arith.maximumf %parallel_loop3A_396, %parallel_loop3A_442 : vector<16xf32>
          %parallel_loop3A_447 = arith.minimumf %parallel_loop3A_396, %parallel_loop3A_442 : vector<16xf32>
          %parallel_loop3A_448 = arith.select %parallel_loop3A_445, %parallel_loop3A_444, %parallel_loop3A_398 : vector<16xi1>, vector<16xi32>
          %parallel_loop3A_449 = arith.select %parallel_loop3A_445, %parallel_loop3A_398, %parallel_loop3A_444 : vector<16xi1>, vector<16xi32>
          %parallel_loop3A_450 = arith.constant 8 : i32
          %parallel_loop3A_451 = arith.muli %parallel_loop3A_129, %parallel_loop3A_450 : i32
          %parallel_loop3A_452 = arith.constant 6 : i32
          %parallel_loop3A_453 = arith.addi %parallel_loop3A_451, %parallel_loop3A_452 : i32
          %parallel_loop3A_454 = vector.broadcast %parallel_loop3A_453 : i32 to vector<16xi32>
          %parallel_loop3A_455 = arith.addi %parallel_loop3A_43, %parallel_loop3A_454 : vector<16xi32>
          %parallel_loop3A_456 = tpu.vector_load_idx %arg5[%parallel_loop3A_455] : memref<32768xf32, #tpu.memory_space<vmem>>[vector<16xi32>], vector<16xf32>,
          %parallel_loop3A_457 = arith.constant 6 : i32
          %parallel_loop3A_458 = vector.broadcast %parallel_loop3A_457 : i32 to vector<16xi32>
          %parallel_loop3A_459 = arith.addi %parallel_loop3A_149, %parallel_loop3A_458 : vector<16xi32>
          %parallel_loop3A_460 = arith.cmpf ogt, %parallel_loop3A_456, %parallel_loop3A_411 : vector<16xf32>
          %parallel_loop3A_461 = arith.maximumf %parallel_loop3A_411, %parallel_loop3A_456 : vector<16xf32>
          %parallel_loop3A_462 = arith.minimumf %parallel_loop3A_411, %parallel_loop3A_456 : vector<16xf32>
          %parallel_loop3A_463 = arith.select %parallel_loop3A_460, %parallel_loop3A_459, %parallel_loop3A_413 : vector<16xi1>, vector<16xi32>
          %parallel_loop3A_464 = arith.select %parallel_loop3A_460, %parallel_loop3A_413, %parallel_loop3A_459 : vector<16xi1>, vector<16xi32>
          %parallel_loop3A_465 = arith.cmpf ogt, %parallel_loop3A_462, %parallel_loop3A_416 : vector<16xf32>
          %parallel_loop3A_466 = arith.maximumf %parallel_loop3A_416, %parallel_loop3A_462 : vector<16xf32>
          %parallel_loop3A_467 = arith.minimumf %parallel_loop3A_416, %parallel_loop3A_462 : vector<16xf32>
          %parallel_loop3A_468 = arith.select %parallel_loop3A_465, %parallel_loop3A_464, %parallel_loop3A_418 : vector<16xi1>, vector<16xi32>
          %parallel_loop3A_469 = arith.select %parallel_loop3A_465, %parallel_loop3A_418, %parallel_loop3A_464 : vector<16xi1>, vector<16xi32>
          %parallel_loop3A_470 = arith.cmpf ogt, %parallel_loop3A_467, %parallel_loop3A_421 : vector<16xf32>
          %parallel_loop3A_471 = arith.maximumf %parallel_loop3A_421, %parallel_loop3A_467 : vector<16xf32>
          %parallel_loop3A_472 = arith.minimumf %parallel_loop3A_421, %parallel_loop3A_467 : vector<16xf32>
          %parallel_loop3A_473 = arith.select %parallel_loop3A_470, %parallel_loop3A_469, %parallel_loop3A_423 : vector<16xi1>, vector<16xi32>
          %parallel_loop3A_474 = arith.select %parallel_loop3A_470, %parallel_loop3A_423, %parallel_loop3A_469 : vector<16xi1>, vector<16xi32>
          %parallel_loop3A_475 = arith.cmpf ogt, %parallel_loop3A_472, %parallel_loop3A_426 : vector<16xf32>
          %parallel_loop3A_476 = arith.maximumf %parallel_loop3A_426, %parallel_loop3A_472 : vector<16xf32>
          %parallel_loop3A_477 = arith.minimumf %parallel_loop3A_426, %parallel_loop3A_472 : vector<16xf32>
          %parallel_loop3A_478 = arith.select %parallel_loop3A_475, %parallel_loop3A_474, %parallel_loop3A_428 : vector<16xi1>, vector<16xi32>
          %parallel_loop3A_479 = arith.select %parallel_loop3A_475, %parallel_loop3A_428, %parallel_loop3A_474 : vector<16xi1>, vector<16xi32>
          %parallel_loop3A_480 = arith.cmpf ogt, %parallel_loop3A_477, %parallel_loop3A_431 : vector<16xf32>
          %parallel_loop3A_481 = arith.maximumf %parallel_loop3A_431, %parallel_loop3A_477 : vector<16xf32>
          %parallel_loop3A_482 = arith.minimumf %parallel_loop3A_431, %parallel_loop3A_477 : vector<16xf32>
          %parallel_loop3A_483 = arith.select %parallel_loop3A_480, %parallel_loop3A_479, %parallel_loop3A_433 : vector<16xi1>, vector<16xi32>
          %parallel_loop3A_484 = arith.select %parallel_loop3A_480, %parallel_loop3A_433, %parallel_loop3A_479 : vector<16xi1>, vector<16xi32>
          %parallel_loop3A_485 = arith.cmpf ogt, %parallel_loop3A_482, %parallel_loop3A_436 : vector<16xf32>
          %parallel_loop3A_486 = arith.maximumf %parallel_loop3A_436, %parallel_loop3A_482 : vector<16xf32>
          %parallel_loop3A_487 = arith.minimumf %parallel_loop3A_436, %parallel_loop3A_482 : vector<16xf32>
          %parallel_loop3A_488 = arith.select %parallel_loop3A_485, %parallel_loop3A_484, %parallel_loop3A_438 : vector<16xi1>, vector<16xi32>
          %parallel_loop3A_489 = arith.select %parallel_loop3A_485, %parallel_loop3A_438, %parallel_loop3A_484 : vector<16xi1>, vector<16xi32>
          %parallel_loop3A_490 = arith.cmpf ogt, %parallel_loop3A_487, %parallel_loop3A_441 : vector<16xf32>
          %parallel_loop3A_491 = arith.maximumf %parallel_loop3A_441, %parallel_loop3A_487 : vector<16xf32>
          %parallel_loop3A_492 = arith.minimumf %parallel_loop3A_441, %parallel_loop3A_487 : vector<16xf32>
          %parallel_loop3A_493 = arith.select %parallel_loop3A_490, %parallel_loop3A_489, %parallel_loop3A_443 : vector<16xi1>, vector<16xi32>
          %parallel_loop3A_494 = arith.select %parallel_loop3A_490, %parallel_loop3A_443, %parallel_loop3A_489 : vector<16xi1>, vector<16xi32>
          %parallel_loop3A_495 = arith.cmpf ogt, %parallel_loop3A_492, %parallel_loop3A_446 : vector<16xf32>
          %parallel_loop3A_496 = arith.maximumf %parallel_loop3A_446, %parallel_loop3A_492 : vector<16xf32>
          %parallel_loop3A_497 = arith.minimumf %parallel_loop3A_446, %parallel_loop3A_492 : vector<16xf32>
          %parallel_loop3A_498 = arith.select %parallel_loop3A_495, %parallel_loop3A_494, %parallel_loop3A_448 : vector<16xi1>, vector<16xi32>
          %parallel_loop3A_499 = arith.select %parallel_loop3A_495, %parallel_loop3A_448, %parallel_loop3A_494 : vector<16xi1>, vector<16xi32>
          %parallel_loop3A_500 = arith.constant 8 : i32
          %parallel_loop3A_501 = arith.muli %parallel_loop3A_129, %parallel_loop3A_500 : i32
          %parallel_loop3A_502 = arith.constant 7 : i32
          %parallel_loop3A_503 = arith.addi %parallel_loop3A_501, %parallel_loop3A_502 : i32
          %parallel_loop3A_504 = vector.broadcast %parallel_loop3A_503 : i32 to vector<16xi32>
          %parallel_loop3A_505 = arith.addi %parallel_loop3A_43, %parallel_loop3A_504 : vector<16xi32>
          %parallel_loop3A_506 = tpu.vector_load_idx %arg5[%parallel_loop3A_505] : memref<32768xf32, #tpu.memory_space<vmem>>[vector<16xi32>], vector<16xf32>,
          %parallel_loop3A_507 = arith.constant 7 : i32
          %parallel_loop3A_508 = vector.broadcast %parallel_loop3A_507 : i32 to vector<16xi32>
          %parallel_loop3A_509 = arith.addi %parallel_loop3A_149, %parallel_loop3A_508 : vector<16xi32>
          %parallel_loop3A_510 = arith.cmpf ogt, %parallel_loop3A_506, %parallel_loop3A_461 : vector<16xf32>
          %parallel_loop3A_511 = arith.maximumf %parallel_loop3A_461, %parallel_loop3A_506 : vector<16xf32>
          %parallel_loop3A_512 = arith.minimumf %parallel_loop3A_461, %parallel_loop3A_506 : vector<16xf32>
          %parallel_loop3A_513 = arith.select %parallel_loop3A_510, %parallel_loop3A_509, %parallel_loop3A_463 : vector<16xi1>, vector<16xi32>
          %parallel_loop3A_514 = arith.select %parallel_loop3A_510, %parallel_loop3A_463, %parallel_loop3A_509 : vector<16xi1>, vector<16xi32>
          %parallel_loop3A_515 = arith.cmpf ogt, %parallel_loop3A_512, %parallel_loop3A_466 : vector<16xf32>
          %parallel_loop3A_516 = arith.maximumf %parallel_loop3A_466, %parallel_loop3A_512 : vector<16xf32>
          %parallel_loop3A_517 = arith.minimumf %parallel_loop3A_466, %parallel_loop3A_512 : vector<16xf32>
          %parallel_loop3A_518 = arith.select %parallel_loop3A_515, %parallel_loop3A_514, %parallel_loop3A_468 : vector<16xi1>, vector<16xi32>
          %parallel_loop3A_519 = arith.select %parallel_loop3A_515, %parallel_loop3A_468, %parallel_loop3A_514 : vector<16xi1>, vector<16xi32>
          %parallel_loop3A_520 = arith.cmpf ogt, %parallel_loop3A_517, %parallel_loop3A_471 : vector<16xf32>
          %parallel_loop3A_521 = arith.maximumf %parallel_loop3A_471, %parallel_loop3A_517 : vector<16xf32>
          %parallel_loop3A_522 = arith.minimumf %parallel_loop3A_471, %parallel_loop3A_517 : vector<16xf32>
          %parallel_loop3A_523 = arith.select %parallel_loop3A_520, %parallel_loop3A_519, %parallel_loop3A_473 : vector<16xi1>, vector<16xi32>
          %parallel_loop3A_524 = arith.select %parallel_loop3A_520, %parallel_loop3A_473, %parallel_loop3A_519 : vector<16xi1>, vector<16xi32>
          %parallel_loop3A_525 = arith.cmpf ogt, %parallel_loop3A_522, %parallel_loop3A_476 : vector<16xf32>
          %parallel_loop3A_526 = arith.maximumf %parallel_loop3A_476, %parallel_loop3A_522 : vector<16xf32>
          %parallel_loop3A_527 = arith.minimumf %parallel_loop3A_476, %parallel_loop3A_522 : vector<16xf32>
          %parallel_loop3A_528 = arith.select %parallel_loop3A_525, %parallel_loop3A_524, %parallel_loop3A_478 : vector<16xi1>, vector<16xi32>
          %parallel_loop3A_529 = arith.select %parallel_loop3A_525, %parallel_loop3A_478, %parallel_loop3A_524 : vector<16xi1>, vector<16xi32>
          %parallel_loop3A_530 = arith.cmpf ogt, %parallel_loop3A_527, %parallel_loop3A_481 : vector<16xf32>
          %parallel_loop3A_531 = arith.maximumf %parallel_loop3A_481, %parallel_loop3A_527 : vector<16xf32>
          %parallel_loop3A_532 = arith.minimumf %parallel_loop3A_481, %parallel_loop3A_527 : vector<16xf32>
          %parallel_loop3A_533 = arith.select %parallel_loop3A_530, %parallel_loop3A_529, %parallel_loop3A_483 : vector<16xi1>, vector<16xi32>
          %parallel_loop3A_534 = arith.select %parallel_loop3A_530, %parallel_loop3A_483, %parallel_loop3A_529 : vector<16xi1>, vector<16xi32>
          %parallel_loop3A_535 = arith.cmpf ogt, %parallel_loop3A_532, %parallel_loop3A_486 : vector<16xf32>
          %parallel_loop3A_536 = arith.maximumf %parallel_loop3A_486, %parallel_loop3A_532 : vector<16xf32>
          %parallel_loop3A_537 = arith.minimumf %parallel_loop3A_486, %parallel_loop3A_532 : vector<16xf32>
          %parallel_loop3A_538 = arith.select %parallel_loop3A_535, %parallel_loop3A_534, %parallel_loop3A_488 : vector<16xi1>, vector<16xi32>
          %parallel_loop3A_539 = arith.select %parallel_loop3A_535, %parallel_loop3A_488, %parallel_loop3A_534 : vector<16xi1>, vector<16xi32>
          %parallel_loop3A_540 = arith.cmpf ogt, %parallel_loop3A_537, %parallel_loop3A_491 : vector<16xf32>
          %parallel_loop3A_541 = arith.maximumf %parallel_loop3A_491, %parallel_loop3A_537 : vector<16xf32>
          %parallel_loop3A_542 = arith.minimumf %parallel_loop3A_491, %parallel_loop3A_537 : vector<16xf32>
          %parallel_loop3A_543 = arith.select %parallel_loop3A_540, %parallel_loop3A_539, %parallel_loop3A_493 : vector<16xi1>, vector<16xi32>
          %parallel_loop3A_544 = arith.select %parallel_loop3A_540, %parallel_loop3A_493, %parallel_loop3A_539 : vector<16xi1>, vector<16xi32>
          %parallel_loop3A_545 = arith.cmpf ogt, %parallel_loop3A_542, %parallel_loop3A_496 : vector<16xf32>
          %parallel_loop3A_546 = arith.maximumf %parallel_loop3A_496, %parallel_loop3A_542 : vector<16xf32>
          %parallel_loop3A_547 = arith.minimumf %parallel_loop3A_496, %parallel_loop3A_542 : vector<16xf32>
          %parallel_loop3A_548 = arith.select %parallel_loop3A_545, %parallel_loop3A_544, %parallel_loop3A_498 : vector<16xi1>, vector<16xi32>
          %parallel_loop3A_549 = arith.select %parallel_loop3A_545, %parallel_loop3A_498, %parallel_loop3A_544 : vector<16xi1>, vector<16xi32>
          scf.yield %parallel_loop3A_511, %parallel_loop3A_516, %parallel_loop3A_521, %parallel_loop3A_526, %parallel_loop3A_531, %parallel_loop3A_536, %parallel_loop3A_541, %parallel_loop3A_546, %parallel_loop3A_513, %parallel_loop3A_518, %parallel_loop3A_523, %parallel_loop3A_528, %parallel_loop3A_533, %parallel_loop3A_538, %parallel_loop3A_543, %parallel_loop3A_548 : vector<16xf32>, vector<16xf32>, vector<16xf32>, vector<16xf32>, vector<16xf32>, vector<16xf32>, vector<16xf32>, vector<16xf32>, vector<16xi32>, vector<16xi32>, vector<16xi32>, vector<16xi32>, vector<16xi32>, vector<16xi32>, vector<16xi32>, vector<16xi32>
        } {sc.loop_unroll_factor = 1 : i64, sc.parallel_access}
        %parallel_loop3A_48 = arith.subf %parallel_loop3A_47#0, %parallel_loop3A_47#0 : vector<16xf32>
        %parallel_loop3A_49 = math.exp %parallel_loop3A_48 : vector<16xf32>
        %parallel_loop3A_50 = arith.subf %parallel_loop3A_47#1, %parallel_loop3A_47#0 : vector<16xf32>
        %parallel_loop3A_51 = math.exp %parallel_loop3A_50 : vector<16xf32>
        %parallel_loop3A_52 = arith.subf %parallel_loop3A_47#2, %parallel_loop3A_47#0 : vector<16xf32>
        %parallel_loop3A_53 = math.exp %parallel_loop3A_52 : vector<16xf32>
        %parallel_loop3A_54 = arith.subf %parallel_loop3A_47#3, %parallel_loop3A_47#0 : vector<16xf32>
        %parallel_loop3A_55 = math.exp %parallel_loop3A_54 : vector<16xf32>
        %parallel_loop3A_56 = arith.subf %parallel_loop3A_47#4, %parallel_loop3A_47#0 : vector<16xf32>
        %parallel_loop3A_57 = math.exp %parallel_loop3A_56 : vector<16xf32>
        %parallel_loop3A_58 = arith.subf %parallel_loop3A_47#5, %parallel_loop3A_47#0 : vector<16xf32>
        %parallel_loop3A_59 = math.exp %parallel_loop3A_58 : vector<16xf32>
        %parallel_loop3A_60 = arith.subf %parallel_loop3A_47#6, %parallel_loop3A_47#0 : vector<16xf32>
        %parallel_loop3A_61 = math.exp %parallel_loop3A_60 : vector<16xf32>
        %parallel_loop3A_62 = arith.subf %parallel_loop3A_47#7, %parallel_loop3A_47#0 : vector<16xf32>
        %parallel_loop3A_63 = math.exp %parallel_loop3A_62 : vector<16xf32>
        %parallel_loop3A_64 = arith.addf %parallel_loop3A_49, %parallel_loop3A_51 : vector<16xf32>
        %parallel_loop3A_65 = arith.addf %parallel_loop3A_64, %parallel_loop3A_53 : vector<16xf32>
        %parallel_loop3A_66 = arith.addf %parallel_loop3A_65, %parallel_loop3A_55 : vector<16xf32>
        %parallel_loop3A_67 = arith.addf %parallel_loop3A_66, %parallel_loop3A_57 : vector<16xf32>
        %parallel_loop3A_68 = arith.addf %parallel_loop3A_67, %parallel_loop3A_59 : vector<16xf32>
        %parallel_loop3A_69 = arith.addf %parallel_loop3A_68, %parallel_loop3A_61 : vector<16xf32>
        %parallel_loop3A_70 = arith.addf %parallel_loop3A_69, %parallel_loop3A_63 : vector<16xf32>
        %parallel_loop3A_71 = arith.constant 1.000000e+00 : f32
        %parallel_loop3A_72 = vector.broadcast %parallel_loop3A_71 : f32 to vector<16xf32>
        %parallel_loop3A_73 = arith.divf %parallel_loop3A_72, %parallel_loop3A_70 : vector<16xf32>
        %parallel_loop3A_74 = arith.constant 15 : i32
        %parallel_loop3A_75 = arith.andi %parallel_loop3A_28, %parallel_loop3A_74 : i32
        %parallel_loop3A_76 = arith.constant 16 : i32
        %parallel_loop3A_77 = arith.muli %parallel_loop3A_75, %parallel_loop3A_76 : i32
        %parallel_loop3A_78 = vector.broadcast %parallel_loop3A_77 : i32 to vector<16xi32>
        %parallel_loop3A_79 = arith.addi %parallel_loop3A_78, %iota3A : vector<16xi32>
        %parallel_loop3A_80 = arith.constant 16 : i32
        %parallel_loop3A_81 = vector.broadcast %parallel_loop3A_80 : i32 to vector<16xi32>
        %parallel_loop3A_82 = arith.muli %parallel_loop3A_79, %parallel_loop3A_81 : vector<16xi32>
        %parallel_loop3A_83 = arith.constant 4 : i32
        %parallel_loop3A_84 = arith.shrsi %parallel_loop3A_28, %parallel_loop3A_83 : i32
        %parallel_loop3A_85 = arith.constant 8 : i32
        %parallel_loop3A_86 = arith.muli %parallel_loop3A_84, %parallel_loop3A_85 : i32
        %parallel_loop3A_87 = vector.broadcast %parallel_loop3A_86 : i32 to vector<16xi32>
        %parallel_loop3A_88 = arith.addi %parallel_loop3A_82, %parallel_loop3A_87 : vector<16xi32>
        %parallel_loop3A_89 = arith.addi %parallel_loop3A_43, %parallel_loop3A_47#8 : vector<16xi32>
        %parallel_loop3A_90 = arith.mulf %parallel_loop3A_49, %parallel_loop3A_73 : vector<16xf32>
        tpu.vector_store_idx %arg6[%parallel_loop3A_89], %parallel_loop3A_90 : memref<32768xf32, #tpu.memory_space<vmem>>[vector<16xi32>], vector<16xf32>,
        %parallel_loop3A_91 = arith.constant 0 : i32
        %parallel_loop3A_92 = vector.broadcast %parallel_loop3A_91 : i32 to vector<16xi32>
        %parallel_loop3A_93 = arith.addi %parallel_loop3A_88, %parallel_loop3A_92 : vector<16xi32>
        tpu.vector_store_idx %arg7[%parallel_loop3A_93], %parallel_loop3A_47#8 : memref<4096xi32, #tpu.memory_space<vmem>>[vector<16xi32>], vector<16xi32>,
        %parallel_loop3A_94 = arith.addi %parallel_loop3A_43, %parallel_loop3A_47#9 : vector<16xi32>
        %parallel_loop3A_95 = arith.mulf %parallel_loop3A_51, %parallel_loop3A_73 : vector<16xf32>
        tpu.vector_store_idx %arg6[%parallel_loop3A_94], %parallel_loop3A_95 : memref<32768xf32, #tpu.memory_space<vmem>>[vector<16xi32>], vector<16xf32>,
        %parallel_loop3A_96 = arith.constant 1 : i32
        %parallel_loop3A_97 = vector.broadcast %parallel_loop3A_96 : i32 to vector<16xi32>
        %parallel_loop3A_98 = arith.addi %parallel_loop3A_88, %parallel_loop3A_97 : vector<16xi32>
        tpu.vector_store_idx %arg7[%parallel_loop3A_98], %parallel_loop3A_47#9 : memref<4096xi32, #tpu.memory_space<vmem>>[vector<16xi32>], vector<16xi32>,
        %parallel_loop3A_99 = arith.addi %parallel_loop3A_43, %parallel_loop3A_47#10 : vector<16xi32>
        %parallel_loop3A_100 = arith.mulf %parallel_loop3A_53, %parallel_loop3A_73 : vector<16xf32>
        tpu.vector_store_idx %arg6[%parallel_loop3A_99], %parallel_loop3A_100 : memref<32768xf32, #tpu.memory_space<vmem>>[vector<16xi32>], vector<16xf32>,
        %parallel_loop3A_101 = arith.constant 2 : i32
        %parallel_loop3A_102 = vector.broadcast %parallel_loop3A_101 : i32 to vector<16xi32>
        %parallel_loop3A_103 = arith.addi %parallel_loop3A_88, %parallel_loop3A_102 : vector<16xi32>
        tpu.vector_store_idx %arg7[%parallel_loop3A_103], %parallel_loop3A_47#10 : memref<4096xi32, #tpu.memory_space<vmem>>[vector<16xi32>], vector<16xi32>,
        %parallel_loop3A_104 = arith.addi %parallel_loop3A_43, %parallel_loop3A_47#11 : vector<16xi32>
        %parallel_loop3A_105 = arith.mulf %parallel_loop3A_55, %parallel_loop3A_73 : vector<16xf32>
        tpu.vector_store_idx %arg6[%parallel_loop3A_104], %parallel_loop3A_105 : memref<32768xf32, #tpu.memory_space<vmem>>[vector<16xi32>], vector<16xf32>,
        %parallel_loop3A_106 = arith.constant 3 : i32
        %parallel_loop3A_107 = vector.broadcast %parallel_loop3A_106 : i32 to vector<16xi32>
        %parallel_loop3A_108 = arith.addi %parallel_loop3A_88, %parallel_loop3A_107 : vector<16xi32>
        tpu.vector_store_idx %arg7[%parallel_loop3A_108], %parallel_loop3A_47#11 : memref<4096xi32, #tpu.memory_space<vmem>>[vector<16xi32>], vector<16xi32>,
        %parallel_loop3A_109 = arith.addi %parallel_loop3A_43, %parallel_loop3A_47#12 : vector<16xi32>
        %parallel_loop3A_110 = arith.mulf %parallel_loop3A_57, %parallel_loop3A_73 : vector<16xf32>
        tpu.vector_store_idx %arg6[%parallel_loop3A_109], %parallel_loop3A_110 : memref<32768xf32, #tpu.memory_space<vmem>>[vector<16xi32>], vector<16xf32>,
        %parallel_loop3A_111 = arith.constant 4 : i32
        %parallel_loop3A_112 = vector.broadcast %parallel_loop3A_111 : i32 to vector<16xi32>
        %parallel_loop3A_113 = arith.addi %parallel_loop3A_88, %parallel_loop3A_112 : vector<16xi32>
        tpu.vector_store_idx %arg7[%parallel_loop3A_113], %parallel_loop3A_47#12 : memref<4096xi32, #tpu.memory_space<vmem>>[vector<16xi32>], vector<16xi32>,
        %parallel_loop3A_114 = arith.addi %parallel_loop3A_43, %parallel_loop3A_47#13 : vector<16xi32>
        %parallel_loop3A_115 = arith.mulf %parallel_loop3A_59, %parallel_loop3A_73 : vector<16xf32>
        tpu.vector_store_idx %arg6[%parallel_loop3A_114], %parallel_loop3A_115 : memref<32768xf32, #tpu.memory_space<vmem>>[vector<16xi32>], vector<16xf32>,
        %parallel_loop3A_116 = arith.constant 5 : i32
        %parallel_loop3A_117 = vector.broadcast %parallel_loop3A_116 : i32 to vector<16xi32>
        %parallel_loop3A_118 = arith.addi %parallel_loop3A_88, %parallel_loop3A_117 : vector<16xi32>
        tpu.vector_store_idx %arg7[%parallel_loop3A_118], %parallel_loop3A_47#13 : memref<4096xi32, #tpu.memory_space<vmem>>[vector<16xi32>], vector<16xi32>,
        %parallel_loop3A_119 = arith.addi %parallel_loop3A_43, %parallel_loop3A_47#14 : vector<16xi32>
        %parallel_loop3A_120 = arith.mulf %parallel_loop3A_61, %parallel_loop3A_73 : vector<16xf32>
        tpu.vector_store_idx %arg6[%parallel_loop3A_119], %parallel_loop3A_120 : memref<32768xf32, #tpu.memory_space<vmem>>[vector<16xi32>], vector<16xf32>,
        %parallel_loop3A_121 = arith.constant 6 : i32
        %parallel_loop3A_122 = vector.broadcast %parallel_loop3A_121 : i32 to vector<16xi32>
        %parallel_loop3A_123 = arith.addi %parallel_loop3A_88, %parallel_loop3A_122 : vector<16xi32>
        tpu.vector_store_idx %arg7[%parallel_loop3A_123], %parallel_loop3A_47#14 : memref<4096xi32, #tpu.memory_space<vmem>>[vector<16xi32>], vector<16xi32>,
        %parallel_loop3A_124 = arith.addi %parallel_loop3A_43, %parallel_loop3A_47#15 : vector<16xi32>
        %parallel_loop3A_125 = arith.mulf %parallel_loop3A_63, %parallel_loop3A_73 : vector<16xf32>
        tpu.vector_store_idx %arg6[%parallel_loop3A_124], %parallel_loop3A_125 : memref<32768xf32, #tpu.memory_space<vmem>>[vector<16xi32>], vector<16xf32>,
        %parallel_loop3A_126 = arith.constant 7 : i32
        %parallel_loop3A_127 = vector.broadcast %parallel_loop3A_126 : i32 to vector<16xi32>
        %parallel_loop3A_128 = arith.addi %parallel_loop3A_88, %parallel_loop3A_127 : vector<16xi32>
        tpu.vector_store_idx %arg7[%parallel_loop3A_128], %parallel_loop3A_47#15 : memref<4096xi32, #tpu.memory_space<vmem>>[vector<16xi32>], vector<16xi32>,
      } {sc.loop_unroll_factor = 2 : i64, sc.parallel_access}
      %mul3A_24 = arith.constant 64 : i32
      %mul3A_25 = arith.muli %add3A_16, %mul3A_24 : i32
      "tpu.region"() ({
        %run_scoped3A = tpu.sem_alloc : memref<!tpu.dma_semaphore, #tpu.memory_space<semaphore_mem>>
        %dma_start3A = tpu.memref_slice %arg3[%mul3A_25] : memref<2097152xf32, #tpu.memory_space<hbm>> -> memref<32768xf32, #tpu.memory_space<hbm>>
        %dma_start3A_28 = tpu.memref_slice %arg3[%mul3A_25] : memref<2097152xf32, #tpu.memory_space<hbm>> -> memref<32768xf32, #tpu.memory_space<hbm>>
        tpu.enqueue_dma source(%arg6 : memref<32768xf32, #tpu.memory_space<vmem>>) target(%dma_start3A_28 : memref<32768xf32, #tpu.memory_space<hbm>>) target_semaphore(%run_scoped3A : memref<!tpu.dma_semaphore, #tpu.memory_space<semaphore_mem>>)
        %dma_wait3A = tpu.memref_slice %arg3[%mul3A_25] : memref<2097152xf32, #tpu.memory_space<hbm>> -> memref<32768xf32, #tpu.memory_space<hbm>>
        %dma_wait3A_29 = tpu.memref_slice %arg3[%mul3A_25] : memref<2097152xf32, #tpu.memory_space<hbm>> -> memref<32768xf32, #tpu.memory_space<hbm>>
        tpu.wait_dma2 semaphore(%run_scoped3A : memref<!tpu.dma_semaphore, #tpu.memory_space<semaphore_mem>>) src(%arg6 : memref<32768xf32, #tpu.memory_space<vmem>>) dst(%dma_wait3A_29 : memref<32768xf32, #tpu.memory_space<hbm>>)
        tpu.yield
      }) : () -> ()
      %mul3A_26 = arith.constant 8 : i32
      %mul3A_27 = arith.muli %add3A_16, %mul3A_26 : i32
      "tpu.region"() ({
        %run_scoped3A = tpu.sem_alloc : memref<!tpu.dma_semaphore, #tpu.memory_space<semaphore_mem>>
        %dma_start3A = tpu.memref_slice %arg4[%mul3A_27] : memref<262144xi32, #tpu.memory_space<hbm>> -> memref<4096xi32, #tpu.memory_space<hbm>>
        %dma_start3A_28 = tpu.memref_slice %arg4[%mul3A_27] : memref<262144xi32, #tpu.memory_space<hbm>> -> memref<4096xi32, #tpu.memory_space<hbm>>
        tpu.enqueue_dma source(%arg7 : memref<4096xi32, #tpu.memory_space<vmem>>) target(%dma_start3A_28 : memref<4096xi32, #tpu.memory_space<hbm>>) target_semaphore(%run_scoped3A : memref<!tpu.dma_semaphore, #tpu.memory_space<semaphore_mem>>)
        %dma_wait3A = tpu.memref_slice %arg4[%mul3A_27] : memref<262144xi32, #tpu.memory_space<hbm>> -> memref<4096xi32, #tpu.memory_space<hbm>>
        %dma_wait3A_29 = tpu.memref_slice %arg4[%mul3A_27] : memref<262144xi32, #tpu.memory_space<hbm>> -> memref<4096xi32, #tpu.memory_space<hbm>>
        tpu.wait_dma2 semaphore(%run_scoped3A : memref<!tpu.dma_semaphore, #tpu.memory_space<semaphore_mem>>) src(%arg7 : memref<4096xi32, #tpu.memory_space<vmem>>) dst(%dma_wait3A_29 : memref<4096xi32, #tpu.memory_space<hbm>>)
        tpu.yield
      }) : () -> ()
    }
    %scan3A_12 = arith.constant 2 : i32
    return
  }
}

module attributes {stable_mosaic.version = 14 : i64} {
  func.func @_logits_kernel(%arg0: i32, %arg1: memref<512x1024xf32, #tpu.memory_space<vmem>>, %arg2: memref<512x1024xf32, #tpu.memory_space<vmem>>, %arg3: memref<64x1024xf32, #tpu.memory_space<vmem>>, %arg4: memref<1x64xf32, #tpu.memory_space<vmem>>, %arg5: memref<2x512x64xf32, #tpu.memory_space<vmem>>, %arg6: memref<512x128xf32, #tpu.memory_space<vmem>>) attributes {dimension_semantics = [#tpu.dimension_semantics<arbitrary>], iteration_bounds = array<i64: 32>, scalar_prefetch = 0 : i64, scratch_operands = 0 : i64, tpu.core_type = #tpu.core_type<tc>, window_params = [{transform_indices = @transform_0, window_bounds = array<i64: 512, 1024>}, {transform_indices = @transform_1, window_bounds = array<i64: 512, 1024>}, {pipeline_mode = #tpu.pipeline_mode<synchronous>, transform_indices = @transform_2, window_bounds = array<i64: 64, 1024>}, {pipeline_mode = #tpu.pipeline_mode<synchronous>, transform_indices = @transform_3, window_bounds = array<i64: 1, 64>}, {transform_indices = @transform_4, window_bounds = array<i64: 2, 512, 64>}, {transform_indices = @transform_5, window_bounds = array<i64: 512, 128>}]} {
    %get3A = arith.constant 0 : index
    %get3A_0 = arith.constant 0 : index
    %get3A_1 = vector.load %arg3[%get3A, %get3A_0] : memref<64x1024xf32, #tpu.memory_space<vmem>>, vector<64x1024xf32>
    %get3A_2 = arith.constant 0 : index
    %get3A_3 = arith.constant 0 : index
    %get3A_4 = vector.load %arg4[%get3A_2, %get3A_3] : memref<1x64xf32, #tpu.memory_space<vmem>>, vector<1x64xf32>
    %get3A_5 = arith.constant 0 : index
    %get3A_6 = arith.constant 0 : index
    %get3A_7 = vector.load %arg1[%get3A_5, %get3A_6] : memref<512x1024xf32, #tpu.memory_space<vmem>>, vector<512x1024xf32>
    %dot_general3A = arith.constant dense<0.000000e+00> : vector<512x64xf32>
    %dot_general3A_8 = tpu.matmul %get3A_7, %get3A_1, %dot_general3A {dimension_numbers = #tpu.dot_dimension_numbers<[1], [1], [0], [0], [0, 0, 1, 0], [], []>, transpose_lhs_hint = false} : vector<512x1024xf32>, vector<64x1024xf32>, vector<512x64xf32> -> vector<512x64xf32>
    %get3A_9 = arith.constant 0 : index
    %get3A_10 = arith.constant 0 : index
    %get3A_11 = vector.load %arg2[%get3A_9, %get3A_10] : memref<512x1024xf32, #tpu.memory_space<vmem>>, vector<512x1024xf32>
    %dot_general3A_12 = arith.constant dense<0.000000e+00> : vector<512x64xf32>
    %dot_general3A_13 = tpu.matmul %get3A_11, %get3A_1, %dot_general3A_12 {dimension_numbers = #tpu.dot_dimension_numbers<[1], [1], [0], [0], [0, 0, 1, 0], [], []>, transpose_lhs_hint = false} : vector<512x1024xf32>, vector<64x1024xf32>, vector<512x64xf32> -> vector<512x64xf32>
    %add3A = vector.broadcast %get3A_4 : vector<1x64xf32> to vector<512x64xf32>
    %add3A_14 = arith.addf %dot_general3A_8, %add3A : vector<512x64xf32>
    %add3A_15 = vector.broadcast %get3A_4 : vector<1x64xf32> to vector<512x64xf32>
    %add3A_16 = arith.addf %dot_general3A_13, %add3A_15 : vector<512x64xf32>
    %swap3A = arith.constant 0 : index
    %swap3A_17 = arith.constant 0 : index
    %swap3A_18 = arith.constant 0 : index
    %swap3A_19 = vector.load %arg5[%swap3A, %swap3A_17, %swap3A_18] : memref<2x512x64xf32, #tpu.memory_space<vmem>>, vector<1x512x64xf32>
    %swap3A_20 = vector.shape_cast %swap3A_19 : vector<1x512x64xf32> to vector<512x64xf32>
    %swap3A_21 = vector.shape_cast %add3A_14 : vector<512x64xf32> to vector<1x512x64xf32>
    tpu.vector_store %arg5[%swap3A, %swap3A_17, %swap3A_18], %swap3A_21 {strides = array<i32>} : memref<2x512x64xf32, #tpu.memory_space<vmem>>, vector<1x512x64xf32>,
    %swap3A_22 = arith.constant 1 : index
    %swap3A_23 = arith.constant 0 : index
    %swap3A_24 = arith.constant 0 : index
    %swap3A_25 = vector.load %arg5[%swap3A_22, %swap3A_23, %swap3A_24] : memref<2x512x64xf32, #tpu.memory_space<vmem>>, vector<1x512x64xf32>
    %swap3A_26 = vector.shape_cast %swap3A_25 : vector<1x512x64xf32> to vector<512x64xf32>
    %swap3A_27 = vector.shape_cast %add3A_16 : vector<512x64xf32> to vector<1x512x64xf32>
    tpu.vector_store %arg5[%swap3A_22, %swap3A_23, %swap3A_24], %swap3A_27 {strides = array<i32>} : memref<2x512x64xf32, #tpu.memory_space<vmem>>, vector<1x512x64xf32>,
    %concatenate3A = tpu.concatenate %add3A_14, %add3A_16 in 1 : vector<512x64xf32>, vector<512x64xf32> -> vector<512x128xf32>
    %swap3A_28 = arith.constant 0 : index
    %swap3A_29 = arith.constant 0 : index
    %swap3A_30 = vector.load %arg6[%swap3A_28, %swap3A_29] : memref<512x128xf32, #tpu.memory_space<vmem>>, vector<512x128xf32>
    tpu.vector_store %arg6[%swap3A_28, %swap3A_29], %concatenate3A {strides = array<i32>} : memref<512x128xf32, #tpu.memory_space<vmem>>, vector<512x128xf32>,
    return
  }
  func.func @transform_0(%arg0: i32) -> (i32, i32) {
    %c0_i32 = arith.constant 0 : i32
    %c0_i32_0 = arith.constant 0 : i32
    return %arg0, %c0_i32 : i32, i32
  }
  func.func @transform_1(%arg0: i32) -> (i32, i32) {
    %add3A = arith.constant 32 : i32
    %add3A_0 = arith.addi %arg0, %add3A : i32
    %c0_i32 = arith.constant 0 : i32
    %c0_i32_1 = arith.constant 0 : i32
    return %add3A_0, %c0_i32 : i32, i32
  }
  func.func @transform_2(%arg0: i32) -> (i32, i32) {
    %c0_i32 = arith.constant 0 : i32
    %c0_i32_0 = arith.constant 0 : i32
    %c0_i32_1 = arith.constant 0 : i32
    return %c0_i32, %c0_i32_0 : i32, i32
  }
  func.func @transform_3(%arg0: i32) -> (i32, i32) {
    %c0_i32 = arith.constant 0 : i32
    %c0_i32_0 = arith.constant 0 : i32
    %c0_i32_1 = arith.constant 0 : i32
    return %c0_i32, %c0_i32_0 : i32, i32
  }
  func.func @transform_4(%arg0: i32) -> (i32, i32, i32) {
    %c0_i32 = arith.constant 0 : i32
    %c0_i32_0 = arith.constant 0 : i32
    %c0_i32_1 = arith.constant 0 : i32
    return %c0_i32, %arg0, %c0_i32_0 : i32, i32, i32
  }
  func.func @transform_5(%arg0: i32) -> (i32, i32) {
    %c0_i32 = arith.constant 0 : i32
    %c0_i32_0 = arith.constant 0 : i32
    return %arg0, %c0_i32 : i32, i32
  }
}

</mosaic_0001>

<sc_bundles>
// kernel: kernel.4.cloned.1.call-start
scs
__scs_entry_jumppad:
0x0: {  	(pc) =	sbr.rel $0x88, $3  }
0x1: {  	(tag) =	ssettag $0x0;
	lr =	simm.s32 $0x1  }
0x2: {  	[smem:$0x3F9E] =	sst lr;
	_ =	strace $0xD0000000  }
0x3: {  	_ = 	snop  }
0x4: {  	_ = 	snop  }
0x5: {  	_ = 	snop  }
0x6: {  	_ = 	snop  }
0x7: {  	_ = 	snop  }
__scs_overlays_trampoline_lowered:
0x8: {  	[smem:$0x3FAD] =	sst s0  }
0x9: {  	[smem:$0x3FAE] =	sst s1  }
0xa: {  	[smem:$0x3FAF] =	sst s2  }
0xb: {  	[smem:$0x3FB0] =	sst s3  }
0xc: {  	[smem:$0x3FB1] =	sst s4  }
0xd: {  	[smem:$0x3FB2] =	sst s5  }
0xe: {  	[smem:$0x3FB3] =	sst s6  }
0xf: {  	[smem:$0x3FB4] =	sst s7  }
0x10: {  	[smem:$0x3FB5] =	sst s8  }
0x11: {  	[smem:$0x3FB6] =	sst s9;
	s0 =	simm.s32 @!p0 $0x0  }
0x12: {  	s1 =	sld [smem:$0x3F9C];
	s0 =	simm.s32 @p0 $0x1  }
0x13: {  	[smem:$0x3FB7] =	sst s0;
	s0 =	simm.s32 @!p1 $0x0  }
0x14: {  	s2 =	sld [smem:$0x3F9B];
	s0 =	simm.s32 @p1 $0x1  }
0x15: {  	[smem:$0x3FB8] =	sst s0;
	s0 =	simm.s32 @!p2 $0x0  }
0x16: {  	s3 =	sld [smem:$0x3FDB];
	s0 =	simm.s32 @p2 $0x1  }
0x17: {  	s4 =	simm.s32 $0x1BF5;
	[smem:$0x3FBA] =	sst s0  }
0x18: {  	s0 =	sld [smem:$0x3F9D];
	_ =	swait.ge [sflag:s4], $0x0  }
0x19: {  	s7 =	sld [smem:$0x3F9E]  }
0x1a: {  	s8 =	sadd.s32 $0xFFFFE003, lr  }
0x1b: {  	s9 =	sadd.s32 $0xFFFFFEF7, lr;
	s5 =	simm.s32 $0xFFFFFFFF;
	p2 =	slt.u32 s8, $0xFFFFF086  }
0x1c: {  	p1 =	slt.u32 s9, $0xF7A;
	s5 =	simm.s32 @!p2 $0x0  }
0x1d: {  	s5 =	simm.s32 @p1 $0x1;
	p0 =	seq.s32 s7, s2  }
0x1e: {  	s7 =	smul.u32 @!p0 $0xF7A, s2;
	p2 =	seq.s32 @!p0 s5, $0x0  }
0x1f: {  	s9 =	smul.u32 $0xF7A, s1;
	s8 =	simm.s32 @!p0 $0x1BF5;
	p2 =	por !p2, p0  }
0x20: {  	[sflag:s8] =	ssyncset.s32 @!p0 $0xFFFFF086;
	s6 =	sadd.s32 @!p0 s3, s7;
	s7 =	simm.s32 @!p0 $0x108  }
0x21: {  	s3 =	sadd.s32 s3, s9;
	s6 =	sadd.s32 @!p0 $0x88, s6;
	s7 =	simm.s32 @p2 $0x1082  }
0x22: {  	[simem:s7], [sflag:s8] =	dma.local @!p0 [hbm:s6], $0xF7A  }
0x23: {  	s9 =	sor.u32 $0xD0000000, s2;
	s6 =	simm.s32 $0x108;
	_ =	swait.ge @!p0 [sflag:s8], $0x0  }
0x24: {  	s3 =	sadd.s32 $0x88, s3;
	s6 =	simm.s32 @!p1 $0x1082;
	[sflag:s4] =	ssyncset.s32 $0xFFFFF086  }
0x25: {  	[simem:s6], [sflag:s4] =	dma.local [hbm:s3], $0xF7A  }
0x26: {  	[smem:$0x3F9E] =	sst s1;
	(tag) =	ssettag s2;
	_ =	strace s9  }
0x27: {  	s1 =	sld [smem:$0x3FAE]  }
0x28: {  	s2 =	sld [smem:$0x3FAF]  }
0x29: {  	s4 =	sld [smem:$0x3FB1]  }
0x2a: {  	p0 =	seq.s32 s5, $0x0;
	s5 =	sld [smem:$0x3FB2]  }
0x2b: {  	s6 =	sld [smem:$0x3FB3]  }
0x2c: {  	s7 =	sld [smem:$0x3FB4]  }
0x2d: {  	s3 =	simm.s32 $0x108;
	s8 =	sld [smem:$0x3FB5]  }
0x2e: {  	s3 =	simm.s32 @!p0 $0x1082;
	s9 =	sld [smem:$0x3FB6]  }
0x2f: {  	lr =	sadd.s32 s0, s3;
	s0 =	sld [smem:$0x3FAD]  }
0x30: {  	s3 =	sld [smem:$0x3FB0]  }
0x31: {  	[smem:$0x3FB9] =	sst s10  }
0x32: {  	s10 =	sld [smem:$0x3FB7];
	_ =	sdelay $0x3  }
0x33: {  	p0 =	seq.s32 s10, $0x1;
	s10 =	sld [smem:$0x3FB9];
	_ =	sdelay $0x3  }
0x34: {  	[smem:$0x3FB9] =	sst s10  }
0x35: {  	s10 =	sld [smem:$0x3FB8];
	_ =	sdelay $0x3  }
0x36: {  	p1 =	seq.s32 s10, $0x1;
	s10 =	sld [smem:$0x3FB9];
	_ =	sdelay $0x3  }
0x37: {  	[smem:$0x3FB9] =	sst s10  }
0x38: {  	s10 =	sld [smem:$0x3FBA]  }
0x39: {  	_ = 	snop;
	(pc) =	sbr.ind lr, $3  }
0x3a: {  	_ = 	snop  }
0x3b: {  	_ = 	snop  }
0x3c: {  	p2 =	seq.s32 s10, $0x1;
	s10 =	sld [smem:$0x3FB9]  }
0x3d: {  	_ =	shalt  }
0x3e: {  	_ =	shalt  }
0x3f: {  	_ =	shalt  }
0x40: {  	_ =	shalt  }
0x41: {  	_ =	shalt  }
0x42: {  	_ =	shalt  }
0x43: {  	_ =	shalt  }
0x44: {  	_ =	shalt  }
0x45: {  	_ =	shalt  }
0x46: {  	_ =	shalt  }
0x47: {  	_ =	shalt  }
0x48: {  	_ =	shalt  }
0x49: {  	_ =	shalt  }
0x4a: {  	_ =	shalt  }
0x4b: {  	_ =	shalt  }
0x4c: {  	_ =	shalt  }
0x4d: {  	_ =	shalt  }
0x4e: {  	_ =	shalt  }
0x4f: {  	_ =	shalt  }
0x50: {  	_ =	shalt  }
0x51: {  	_ =	shalt  }
0x52: {  	_ =	shalt  }
0x53: {  	_ =	shalt  }
0x54: {  	_ =	shalt  }
0x55: {  	_ =	shalt  }
0x56: {  	_ =	shalt  }
0x57: {  	_ =	shalt  }
0x58: {  	_ =	shalt  }
0x59: {  	_ =	shalt  }
0x5a: {  	_ =	shalt  }
0x5b: {  	_ =	shalt  }
0x5c: {  	_ =	shalt  }
0x5d: {  	_ =	shalt  }
0x5e: {  	_ =	shalt  }
0x5f: {  	_ =	shalt  }
0x60: {  	_ =	shalt  }
0x61: {  	_ =	shalt  }
0x62: {  	_ =	shalt  }
0x63: {  	_ =	shalt  }
0x64: {  	_ =	shalt  }
0x65: {  	_ =	shalt  }
0x66: {  	_ =	shalt  }
0x67: {  	_ =	shalt  }
0x68: {  	_ =	shalt  }
0x69: {  	_ =	shalt  }
0x6a: {  	_ =	shalt  }
0x6b: {  	_ =	shalt  }
0x6c: {  	_ =	shalt  }
0x6d: {  	_ =	shalt  }
0x6e: {  	_ =	shalt  }
0x6f: {  	_ =	shalt  }
0x70: {  	_ =	shalt  }
0x71: {  	_ =	shalt  }
0x72: {  	_ =	shalt  }
0x73: {  	_ =	shalt  }
0x74: {  	_ =	shalt  }
0x75: {  	_ =	shalt  }
0x76: {  	_ =	shalt  }
0x77: {  	_ =	shalt  }
0x78: {  	_ =	shalt  }
0x79: {  	_ =	shalt  }
0x7a: {  	_ =	shalt  }
0x7b: {  	_ =	shalt  }
0x7c: {  	_ =	shalt  }
0x7d: {  	_ =	shalt  }
0x7e: {  	_ =	shalt  }
0x7f: {  	_ =	shalt  }
0x80: {  	_ =	shalt  }
0x81: {  	_ =	shalt  }
0x82: {  	_ =	shalt  }
0x83: {  	_ =	shalt  }
0x84: {  	_ =	shalt  }
0x85: {  	_ =	shalt  }
0x86: {  	_ =	shalt  }
0x87: {  	_ =	shalt  }
.Lfunc_end0:
.L_simem_size_0:
called_computation_lowered:
.L_overlay_start_0:
0x88: {  	s2 =	sld [smem:$0x3FD9]  }
0x89: {  	s3 =	sld [smem:$0x3FFE];
	_ =	sdelay $0x1  }
0x8a: {  	s1 =	srdreg.scid  }
0x8b: {  	s0 =	sand.u32 $0x1, s1  }
0x8c: {  	s14 =	sshll.u32 s0, $0xA;
	s2 =	sadd.s32 s3, s2  }
0x8d: {  	s2 =	sadd.s32 s2, s14  }
0x8e: {  	[smem:$0x3FC5] =	sst s2  }
0x8f: {  	_ = 	snop  }
0x90: {  	s2 =	sld [smem:$0x3FD0];
	_ =	sdelay $0x2  }
0x91: {  	s15 =	simm.s32 $0xA;
	s4 =	simm.s32 $0x10  }
0x92: {  	[smem:s4], [sflag:s15] =	dma.local [hbm:s2], $0x1  }
0x93: {  	_ =	swait.eq [sflag:s15], $0x1  }
0x94: {  	[sflag:s15] =	ssyncset.done $0x0  }
0x95: {  	s16 =	sld [smem:$0x10];
	[sflag:s15] =	ssyncadd.s32 $0xFFFFFFFF  }
0x96: {  	s17 =	sld [smem:$0x11];
	(tm) =	ssettm $0x1  }
0x97: {  	s18 =	sld [smem:$0x3FFB];
	_ =	sdelay $0x3  }
0x98: {  	_ =	strace s18  }
0x99: {  	s4 =	sld [smem:$0x3FFC];
	_ =	sdelay $0x3  }
0x9a: {  	_ =	strace s4  }
0x9b: {  	s4 =	sld [smem:$0x3FFD];
	_ =	sdelay $0x3  }
0x9c: {  	_ =	strace s4  }
0x9d: {  	_ =	strace $0x8FFFFFFF  }
0x9e: {  	s19 =	sld [smem:$0x3FDB];
	_ =	sdelay $0x1  }
0x9f: {  	s5 =	simm.s32 $_scs_section_size  }
0xa0: {  	s6 =	simm.s32 $_size__tile_overlayer_lowered;
	s7 =	simm.s32 $_tile_overlayer_lowered  }
0xa1: {  	s22 =	simm.s32 $0x1BFF;
	s21 =	sshll.u32 s7, $0x1;
	s4 =	sadd.s32 s5, s19  }
0xa2: {  	s8 =	simm.s32 $0x0;
	s20 =	sshll.u32 s6, $0x1;
	s6 =	sadd.s32 s21, s4  }
0xa3: {  	[timem:s8], [sflag:s22] =	dma.local [hbm:s6], s20  }
0xa4: {  	_ =	swait.ge [sflag:s22], s20  }
0xa5: {  	s5 =	ssub.s32 $0x0, s20;
	[sflag:s22] =	ssyncset.done $0x0  }
0xa6: {  	[sflag:s22] =	ssyncadd.s32 s5;
	_ =	sdelay $0x1  }
0xa7: {  	s23 =	simm.s32 $0x1B8B  }
0xa8: {  	_ =	swait.ge [sflag:s23], $0x1  }
0xa9: {  	[sflag:s23] =	ssyncset.done $0x0  }
0xaa: {  	s25 =	simm.s32 $0x1B8E;
	s24 =	sld [smem:$0x3FFE];
	[sflag:s23] =	ssyncadd.s32 $0xFFFFFFFF  }
0xab: {  	s26 =	simm.s32 $execute0_lowered;
	[smem:$0x3FD2] =	sst s25  }
0xac: {  	s6 =	sshll.u32 s26, $0x1;
	_ =	strace $0x80000046;
	[dreg:$0x1] =	wrdreg $0xFFFFFFFF  }
0xad: {  	s28 =	simm.s32 $_size_execute0_lowered;
	s4 =	sadd.s32 s4, s6;
	[dreg:$0x0] =	wrdreg $0x0  }
0xae: {  	s6 =	sshll.u32 s28, $0x1;
	[dreg:$0x2] =	wrdreg s4  }
0xaf: {  	[dreg:$0x3] =	wrdreg s6  }
0xb0: {  	[dreg:$0x4] =	wrdreg $0xC0  }
0xb1: {  	_ =	task [dreg:s8], $0x5FFFF  }
0xb2: {  	[dreg:$0x1] =	wrdreg $0xFFFFFFFF  }
0xb3: {  	[dreg:$0x0] =	wrdreg $0x60  }
0xb4: {  	[dreg:$0x2] =	wrdreg s16  }
0xb5: {  	[dreg:$0x3] =	wrdreg s24  }
0xb6: {  	[dreg:$0x4] =	wrdreg s17  }
0xb7: {  	[dreg:$0x5] =	wrdreg $0x9  }
0xb8: {  	_ =	task.clear_ibuf [dreg:s8], $0x6FFFF;
	_ =	strace $0x90000046  }
0xb9: {  	s29 =	simm.s32 $0x9;
	_ =	strace $0x80000048  }
0xba: {  	_ =	swait.ge [sflag:s29], $0x1  }
0xbb: {  	[sflag:s29] =	ssyncadd.s32 $0xFFFFFFFF  }
0xbc: {  	_ =	strace $0x90000048  }
0xbd: {  	_ =	sfence  }
0xbe: {  	s30 =	sld [smem:$0x0];
	_ =	sdelay $0x2  }
0xbf: {  	s31 =	sshll.u32 s1, $0xD;
	s1 =	sshrl.u32 s1, $0x2  }
0xc0: {  	s3 =	sand.u32 $0x4000, s31;
	s1 =	sadd.s32 s1, s30  }
0xc1: {  	s0 =	sor.u32 s3, s0;
	s1 =	sshll.u32 s1, $0x11  }
0xc2: {  	s0 =	sor.u32 s1, s0  }
0xc3: {  	s0 =	sadd.s32 $0x8F2B, s0  }
0xc4: {  	[sflag:s0] =	ssyncadd.remote.s32 $0x1  }
0xc5: {  	_ =	sfence.sel $0xFFFF  }
0xc6: {  	[dreg:$0x0] =	wrdreg $0xFFFFFFFF;
	(pc) =	sbr.abs _section_cstart, $3  }
0xc7: {  	[dreg:$0x1] =	wrdreg $0xFFFFFFFF  }
0xc8: {  	_ =	task.clear_ibuf [dreg:s8], $0x2FFFF;
	_ =	strace $0x9FFFFFFF  }
0xc9: {  	(tm) =	ssettm $0x7FFFFFFF  }
tec
execute0_lowered:
.L_overlay_start_1:
0x0: {  	(tag) =	ssettag $0x1  }
0x1: {  	s1 =	rddreg [dreg:$0x0]  }
0x2: {  	s4 =	rddreg [dreg:$0x1]  }
0x3: {  	s2 =	rddreg [dreg:$0x2]  }
0x4: {  	s0 =	rddreg [dreg:$0x3]  }
0x5: {  	s3 =	simm.s32 $0x0;
	s5 =	srdreg.scid;
	s9 =	simm.s32 $0x8000  }
0x6: {  	s10 =	simm.s32 $0x10000;
	s11 =	simm.s32 $0x0;
	s6 =	sand.u32 $0x1, s5  }
0x7: {  	[smem:$0x7FF] =	sst s3;
	s5 =	sadd.s32 $0x81E00, s4;
	s7 =	ssub.s32 $0x2, s6  }
0x8: {  	s4 =	stileid.u32;
	_ =	strace $0x80000047;
	s8 =	sshrl.u32 s7, $0x1  }
0x9: {  	s31 =	sshll.u32 s4, $0xB;
	s6 =	sshll.u32 s6, $0xA;
	s7 =	ssub.s32 s7, s8  }
0xa: {  	v0 =	vimm.f32 $0.0e+00;
	v1 =	vlaneseq.u32;
	s6 =	sor.u32 s6, s31;
	s8 =	simm.s32 $0x1;
	s7 =	smax.u32 s7, $0x1  }
.LBB2_1:
0xb: {  	p1 =	por $0x1, $0x1;
	s12 =	simm.s32 $0x0  }
.LBB2_2:
0xc: {  	s12 =	sor.u32 s6, s12  }
0xd: {  	s13 =	sshll.u32 s12, $0x3  }
0xe: {  	s14 =	sadd.s32 s1, s13  }
0xf: {  	[tilespmem:s3], [sflag:$0x1] =	stream.linear.gather [hbm4b:s14+s3], $0x8000, $0x38;
	[tilespmem:$0x11000] =	vst v63  }
0x10: {  	_ =	swait.ge [sflag:s8], $0x8000  }
0x11: {  	[sflag:s8] =	ssyncset.done $0x0  }
0x12: {  	s14 =	simm.s32 $0x8100;
	[sflag:s8] =	ssyncadd.s32 $0xFFFF8000  }
0x13: {  	[tilespmem:s14+$0xFFFFFF00] =	vst v0  }
0x14: {  	[tilespmem:s14+$0xF0] =	vst v0  }
0x15: {  	[tilespmem:s14+$0xE0] =	vst v0  }
0x16: {  	[tilespmem:s14+$0xD0] =	vst v0  }
0x17: {  	[tilespmem:s14+$0xC0] =	vst v0  }
0x18: {  	[tilespmem:s14+$0xB0] =	vst v0  }
0x19: {  	[tilespmem:s14+$0xA0] =	vst v0  }
0x1a: {  	[tilespmem:s14+$0x90] =	vst v0  }
0x1b: {  	[tilespmem:s14+$0x80] =	vst v0  }
0x1c: {  	[tilespmem:s14+$0x70] =	vst v0  }
0x1d: {  	[tilespmem:s14+$0x60] =	vst v0  }
0x1e: {  	[tilespmem:s14+$0x50] =	vst v0  }
0x1f: {  	[tilespmem:s14+$0x40] =	vst v0  }
0x20: {  	[tilespmem:s14+$0x30] =	vst v0  }
0x21: {  	[tilespmem:s14+$0x20] =	vst v0  }
0x22: {  	[tilespmem:s14+$0x10] =	vst v0  }
0x23: {  	[tilespmem:s14+$0x0] =	vst v0  }
0x24: {  	[tilespmem:s14+$0xFFFFFFF0] =	vst v0  }
0x25: {  	[tilespmem:s14+$0xFFFFFFE0] =	vst v0  }
0x26: {  	[tilespmem:s14+$0xFFFFFFD0] =	vst v0  }
0x27: {  	[tilespmem:s14+$0xFFFFFFC0] =	vst v0  }
0x28: {  	[tilespmem:s14+$0xFFFFFFB0] =	vst v0  }
0x29: {  	[tilespmem:s14+$0xFFFFFFA0] =	vst v0  }
0x2a: {  	[tilespmem:s14+$0xFFFFFF90] =	vst v0  }
0x2b: {  	[tilespmem:s14+$0xFFFFFF80] =	vst v0  }
0x2c: {  	[tilespmem:s14+$0xFFFFFF70] =	vst v0  }
0x2d: {  	[tilespmem:s14+$0xFFFFFF60] =	vst v0  }
0x2e: {  	[tilespmem:s14+$0xFFFFFF50] =	vst v0  }
0x2f: {  	[tilespmem:s14+$0xFFFFFF40] =	vst v0  }
0x30: {  	[tilespmem:s14+$0xFFFFFF30] =	vst v0  }
0x31: {  	p0 =	por p1, p1;
	s15 =	simm.s32 $0x0;
	[tilespmem:s14+$0xFFFFFF20] =	vst v0  }
.LBB2_3:
0x32: {  	s15 =	sadd.s32 $0x4, s15;
	[tilespmem:s14+$0xFFFFFF10] =	vst v0;
	s14 =	sadd.s32 $0x200, s14  }
0x33: {  	[tilespmem:s14+$0xFFFFFF00] =	vst v0;
	p1 =	slt.u32 s15, $0xFC  }
0x34: {  	[tilespmem:s14+$0xF0] =	vst v0  }
0x35: {  	[tilespmem:s14+$0xE0] =	vst v0  }
0x36: {  	[tilespmem:s14+$0xD0] =	vst v0  }
0x37: {  	[tilespmem:s14+$0xC0] =	vst v0  }
0x38: {  	[tilespmem:s14+$0xB0] =	vst v0  }
0x39: {  	[tilespmem:s14+$0xA0] =	vst v0  }
0x3a: {  	[tilespmem:s14+$0x90] =	vst v0  }
0x3b: {  	[tilespmem:s14+$0x80] =	vst v0  }
0x3c: {  	[tilespmem:s14+$0x70] =	vst v0  }
0x3d: {  	[tilespmem:s14+$0x60] =	vst v0  }
0x3e: {  	[tilespmem:s14+$0x50] =	vst v0  }
0x3f: {  	[tilespmem:s14+$0x40] =	vst v0  }
0x40: {  	[tilespmem:s14+$0x30] =	vst v0  }
0x41: {  	[tilespmem:s14+$0x20] =	vst v0  }
0x42: {  	[tilespmem:s14+$0x10] =	vst v0  }
0x43: {  	[tilespmem:s14+$0x0] =	vst v0  }
0x44: {  	[tilespmem:s14+$0xFFFFFFF0] =	vst v0  }
0x45: {  	[tilespmem:s14+$0xFFFFFFE0] =	vst v0  }
0x46: {  	[tilespmem:s14+$0xFFFFFFD0] =	vst v0  }
0x47: {  	[tilespmem:s14+$0xFFFFFFC0] =	vst v0  }
0x48: {  	[tilespmem:s14+$0xFFFFFFB0] =	vst v0  }
0x49: {  	[tilespmem:s14+$0xFFFFFFA0] =	vst v0  }
0x4a: {  	[tilespmem:s14+$0xFFFFFF90] =	vst v0  }
0x4b: {  	[tilespmem:s14+$0xFFFFFF80] =	vst v0  }
0x4c: {  	[tilespmem:s14+$0xFFFFFF70] =	vst v0  }
.Ltmp0:
0x4d: {  	[tilespmem:s14+$0xFFFFFF60] =	vst v0;
	(pc) =	sbr.rel @p1 .LBB2_3-.Ltmp0, $4  }
0x4e: {  	[tilespmem:s14+$0xFFFFFF50] =	vst v0  }
0x4f: {  	[tilespmem:s14+$0xFFFFFF40] =	vst v0  }
0x50: {  	[tilespmem:s14+$0xFFFFFF30] =	vst v0  }
0x51: {  	[tilespmem:s14+$0xFFFFFF20] =	vst v0  }
0x52: {  	[tilespmem:s14+$0xFFFFFF10] =	vst v0;
	s14 =	simm.s32 $0x0  }
.LBB2_5:
0x53: {  	v14 =	vimm.f32 $-Inf;
	v6 =	vimm.s32 $0x0  }
0x54: {  	v7 =	vimm.s32 $0x0;
	v8 =	vimm.s32 $0x0;
	v9 =	vimm.s32 $0x0  }
0x55: {  	s15 =	sshll.u32 s14, $0x4;
	v10 =	vimm.s32 $0x0;
	v11 =	vimm.s32 $0x0;
	v12 =	vimm.s32 $0x0  }
0x56: {  	v13 =	vimm.s32 $0x0;
	v15 =	vimm.f32 $-Inf;
	v16 =	vimm.f32 $-Inf;
	s15 =	sand.u32 $0xE0, s15  }
0x57: {  	s16 =	sshrl.u32 s14, $0x4;
	v18 =	vimm.f32 $-Inf;
	v19 =	vimm.f32 $-Inf;
	v4 =	vor.u32 s15, v1  }
0x58: {  	v20 =	vimm.f32 $-Inf;
	v21 =	vimm.f32 $-Inf;
	s17 =	sshll.u32 s16, $0x6;
	v3 =	vshll.u32 v4, $0x7  }
0x59: {  	v17 =	vimm.f32 $-Inf;
	v2 =	vmov s17;
	v3 =	vadd.s32 s17, v3;
	s17 =	simm.s32 $0x7  }
.LBB2_6:
0x5a: {  	s18 =	sadd.s32 $0xFFFFFFF9, s17  }
0x5b: {  	v5 =	vor.u32 s18, v3;
	_ =	sdelay $0x4  }
0x5c: {  	v22 =	vld.idx.msk [tilespmem:v5+s3+$0x0], $0xffff;
	_ =	sdelay $0x2  }
0x5d: {  	s28 =	sadd.s32 $0xFFFFFFFC, s17  }
0x5e: {  	v54 =	vor.u32 s28, v3  }
0x5f: {  	v5 =	vmov s18;
	vm0 =	vgt.f32 v22, v17;
	v23 =	vmax.f32 v17, v22  }
0x60: {  	v17 =	vmin.f32 v17, v22;
	v22 =	vsel vm0, s18, v13;
	v13 =	vnsel vm0, s18, v13  }
0x61: {  	s25 =	sadd.s32 $0xFFFFFFFA, s17;
	vm13 =	vgt.f32 v17, v21;
	v24 =	vmax.f32 v21, v17;
	v17 =	vmin.f32 v21, v17  }
0x62: {  	v21 =	vsel vm13, v13, v12;
	v12 =	vsel vm13, v12, v13;
	v13 =	vor.u32 s25, v3  }
0x63: {  	vm14 =	vgt.f32 v17, v20;
	v25 =	vmax.f32 v20, v17;
	v17 =	vmin.f32 v20, v17  }
0x64: {  	v20 =	vsel vm14, v12, v11;
	v11 =	vsel vm14, v11, v12;
	vm15 =	vgt.f32 v17, v19  }
0x65: {  	v12 =	vmax.f32 v19, v17;
	v17 =	vmin.f32 v19, v17;
	v19 =	vsel vm15, v11, v10  }
0x66: {  	v10 =	vsel vm15, v10, v11;
	vm4 =	vgt.f32 v17, v18;
	v11 =	vmax.f32 v18, v17  }
0x67: {  	v17 =	vmin.f32 v18, v17;
	v18 =	vsel vm4, v10, v9;
	v9 =	vsel vm4, v9, v10;
	v10 =	vld.idx.msk [tilespmem:v13+s3+$0x0], $0xffff  }
0x68: {  	vm5 =	vgt.f32 v17, v16;
	v13 =	vmax.f32 v16, v17;
	v16 =	vmin.f32 v16, v17  }
0x69: {  	v17 =	vsel vm5, v9, v8;
	v8 =	vsel vm5, v8, v9;
	vm6 =	vgt.f32 v16, v15  }
0x6a: {  	v9 =	vmin.f32 v15, v16;
	v26 =	vsel vm6, v8, v7;
	v7 =	vsel vm6, v7, v8  }
0x6b: {  	vm7 =	vgt.f32 v9, v14;
	v8 =	vmax.f32 v15, v16;
	v9 =	vmax.f32 v14, v9  }
0x6c: {  	v6 =	vsel vm7, v7, v6;
	v7 =	vor.u32 $0x1, v5;
	vm8 =	vgt.f32 v10, v23  }
0x6d: {  	v14 =	vmax.f32 v23, v10;
	v10 =	vmin.f32 v23, v10;
	v15 =	vsel vm8, v7, v22  }
0x6e: {  	v7 =	vsel vm8, v22, v7;
	vm9 =	vgt.f32 v10, v24;
	v16 =	vmax.f32 v24, v10  }
0x6f: {  	s26 =	sadd.s32 $0xFFFFFFFB, s17;
	v10 =	vmin.f32 v24, v10;
	v22 =	vsel vm9, v7, v21;
	v7 =	vsel vm9, v21, v7  }
0x70: {  	v21 =	vor.u32 s26, v3;
	vm10 =	vgt.f32 v10, v25;
	v23 =	vmax.f32 v25, v10  }
0x71: {  	v10 =	vmin.f32 v25, v10;
	v53 =	vsel vm10, v7, v20;
	v7 =	vsel vm10, v20, v7  }
0x72: {  	vm11 =	vgt.f32 v10, v12;
	v20 =	vmax.f32 v12, v10;
	v10 =	vmin.f32 v12, v10  }
0x73: {  	v12 =	vsel vm11, v7, v19;
	v7 =	vsel vm11, v19, v7;
	vm12 =	vgt.f32 v10, v11  }
0x74: {  	v19 =	vmax.f32 v11, v10;
	v10 =	vmin.f32 v11, v10;
	v11 =	vsel vm12, v7, v18  }
0x75: {  	v7 =	vsel vm12, v18, v7;
	vm13 =	vgt.f32 v10, v13;
	v18 =	vld.idx.msk [tilespmem:v21+s3+$0x0], $0xffff;
	v21 =	vmax.f32 v13, v10  }
0x76: {  	v10 =	vmin.f32 v13, v10;
	v13 =	vsel vm13, v7, v17;
	v7 =	vsel vm13, v17, v7  }
0x77: {  	vm14 =	vgt.f32 v10, v8;
	v17 =	vmax.f32 v8, v10;
	v8 =	vmin.f32 v8, v10  }
0x78: {  	s31 =	sadd.s32 $0xFFFFFFFF, s17;
	v25 =	vld.idx.msk [tilespmem:v54+s3+$0x0], $0xffff;
	v10 =	vsel vm14, v7, v26;
	v7 =	vsel vm14, v26, v7;
	vm15 =	vgt.f32 v8, v9  }
0x79: {  	v60 =	vor.u32 s31, v3;
	v8 =	vmax.f32 v9, v8;
	v6 =	vsel vm15, v7, v6  }
0x7a: {  	v7 =	vor.u32 $0x2, v5;
	vm4 =	vgt.f32 v18, v14;
	v9 =	vmax.f32 v14, v18  }
0x7b: {  	v14 =	vmin.f32 v14, v18;
	v18 =	vsel vm4, v7, v15;
	v7 =	vsel vm4, v15, v7  }
0x7c: {  	vm5 =	vgt.f32 v14, v16;
	v15 =	vmax.f32 v16, v14;
	v14 =	vmin.f32 v16, v14  }
0x7d: {  	vm12 =	vgt.f32 v25, v9;
	v16 =	vsel vm5, v7, v22;
	v7 =	vsel vm5, v22, v7  }
0x7e: {  	vm6 =	vgt.f32 v14, v23;
	v22 =	vmax.f32 v23, v14;
	v14 =	vmin.f32 v23, v14  }
0x7f: {  	v23 =	vsel vm6, v7, v53;
	v7 =	vsel vm6, v53, v7;
	vm7 =	vgt.f32 v14, v20  }
0x80: {  	v55 =	vmax.f32 v20, v14;
	v14 =	vmin.f32 v20, v14;
	v20 =	vsel vm7, v7, v12  }
0x81: {  	v7 =	vsel vm7, v12, v7;
	vm8 =	vgt.f32 v14, v19;
	v12 =	vmax.f32 v19, v14  }
0x82: {  	v14 =	vmin.f32 v19, v14;
	v19 =	vsel vm8, v7, v11;
	v7 =	vsel vm8, v11, v7  }
0x83: {  	vm9 =	vgt.f32 v14, v21;
	v11 =	vmax.f32 v21, v14;
	v14 =	vmin.f32 v21, v14  }
0x84: {  	v21 =	vsel vm9, v7, v13;
	v7 =	vsel vm9, v13, v7;
	vm10 =	vgt.f32 v14, v17  }
0x85: {  	v13 =	vmax.f32 v17, v14;
	v14 =	vmin.f32 v17, v14;
	v17 =	vsel vm10, v7, v10  }
0x86: {  	v7 =	vsel vm10, v10, v7;
	vm11 =	vgt.f32 v14, v8;
	v10 =	vmax.f32 v9, v25  }
0x87: {  	v9 =	vmin.f32 v9, v25;
	v6 =	vsel vm11, v7, v6;
	v7 =	vor.u32 $0x3, v5  }
0x88: {  	v8 =	vmax.f32 v8, v14;
	vm13 =	vgt.f32 v9, v15;
	v14 =	vsel vm12, v7, v18  }
0x89: {  	s29 =	sadd.s32 $0xFFFFFFFD, s17;
	v7 =	vsel vm12, v18, v7;
	v18 =	vmax.f32 v15, v9;
	v9 =	vmin.f32 v15, v9  }
0x8a: {  	v15 =	vsel vm13, v7, v16;
	v7 =	vsel vm13, v16, v7;
	v16 =	vor.u32 s29, v3  }
0x8b: {  	vm14 =	vgt.f32 v9, v22;
	v56 =	vmax.f32 v22, v9;
	v9 =	vmin.f32 v22, v9  }
0x8c: {  	v22 =	vsel vm14, v7, v23;
	v7 =	vsel vm14, v23, v7;
	vm15 =	vgt.f32 v9, v55  }
0x8d: {  	v23 =	vmax.f32 v55, v9;
	v9 =	vmin.f32 v55, v9;
	v57 =	vsel vm15, v7, v20  }
0x8e: {  	v7 =	vsel vm15, v20, v7;
	vm4 =	vgt.f32 v9, v12;
	v20 =	vmax.f32 v12, v9  }
0x8f: {  	v9 =	vmin.f32 v12, v9;
	v12 =	vsel vm4, v7, v19;
	v7 =	vsel vm4, v19, v7;
	v16 =	vld.idx.msk [tilespmem:v16+s3+$0x0], $0xffff  }
0x90: {  	vm5 =	vgt.f32 v9, v11;
	v19 =	vmax.f32 v11, v9;
	v9 =	vmin.f32 v11, v9  }
0x91: {  	v11 =	vsel vm5, v7, v21;
	v7 =	vsel vm5, v21, v7;
	vm6 =	vgt.f32 v9, v13  }
0x92: {  	v21 =	vmin.f32 v13, v9;
	v9 =	vmax.f32 v13, v9;
	v58 =	vsel vm6, v7, v17  }
0x93: {  	v7 =	vsel vm6, v17, v7;
	vm7 =	vgt.f32 v21, v8;
	v8 =	vmax.f32 v8, v21  }
0x94: {  	v6 =	vsel vm7, v7, v6;
	v7 =	vor.u32 $0x4, v5;
	vm8 =	vgt.f32 v16, v10  }
0x95: {  	v13 =	vmax.f32 v10, v16;
	v10 =	vmin.f32 v10, v16;
	v16 =	vsel vm8, v7, v14  }
0x96: {  	v7 =	vsel vm8, v14, v7;
	vm9 =	vgt.f32 v10, v18;
	v14 =	vmax.f32 v18, v10  }
0x97: {  	s30 =	sadd.s32 $0xFFFFFFFE, s17;
	v10 =	vmin.f32 v18, v10;
	v17 =	vsel vm9, v7, v15;
	v7 =	vsel vm9, v15, v7  }
0x98: {  	v15 =	vor.u32 s30, v3;
	vm10 =	vgt.f32 v10, v56;
	v18 =	vmax.f32 v56, v10  }
0x99: {  	v10 =	vmin.f32 v56, v10;
	v21 =	vsel vm10, v7, v22;
	v7 =	vsel vm10, v22, v7  }
0x9a: {  	vm11 =	vgt.f32 v10, v23;
	v22 =	vmax.f32 v23, v10;
	v10 =	vmin.f32 v23, v10  }
0x9b: {  	v23 =	vsel vm11, v7, v57;
	v7 =	vsel vm11, v57, v7;
	vm12 =	vgt.f32 v10, v20  }
0x9c: {  	v59 =	vmax.f32 v20, v10;
	v10 =	vmin.f32 v20, v10;
	v20 =	vsel vm12, v7, v12  }
0x9d: {  	v7 =	vsel vm12, v12, v7;
	vm13 =	vgt.f32 v10, v19;
	v12 =	vld.idx.msk [tilespmem:v15+s3+$0x0], $0xffff;
	v15 =	vmax.f32 v19, v10  }
0x9e: {  	v10 =	vmin.f32 v19, v10;
	v19 =	vsel vm13, v7, v11;
	v7 =	vsel vm13, v11, v7  }
0x9f: {  	v25 =	vld.idx.msk [tilespmem:v60+s3+$0x0], $0xffff;
	vm14 =	vgt.f32 v10, v9;
	v11 =	vmax.f32 v9, v10;
	v9 =	vmin.f32 v9, v10  }
0xa0: {  	v10 =	vsel vm14, v7, v58;
	v7 =	vsel vm14, v58, v7;
	vm15 =	vgt.f32 v9, v8  }
0xa1: {  	v8 =	vmax.f32 v8, v9;
	v6 =	vsel vm15, v7, v6;
	v7 =	vor.u32 $0x5, v5  }
0xa2: {  	vm4 =	vgt.f32 v12, v13;
	v9 =	vmax.f32 v13, v12;
	v12 =	vmin.f32 v13, v12  }
0xa3: {  	v13 =	vsel vm4, v7, v16;
	v7 =	vsel vm4, v16, v7;
	vm5 =	vgt.f32 v12, v14  }
0xa4: {  	v16 =	vmax.f32 v14, v12;
	v12 =	vmin.f32 v14, v12;
	vm12 =	vgt.f32 v25, v9  }
0xa5: {  	v14 =	vsel vm5, v7, v17;
	v7 =	vsel vm5, v17, v7;
	vm6 =	vgt.f32 v12, v18  }
0xa6: {  	v17 =	vmax.f32 v18, v12;
	v12 =	vmin.f32 v18, v12;
	v18 =	vsel vm6, v7, v21  }
0xa7: {  	v7 =	vsel vm6, v21, v7;
	vm7 =	vgt.f32 v12, v22;
	v21 =	vmax.f32 v22, v12  }
0xa8: {  	v12 =	vmin.f32 v22, v12;
	v22 =	vsel vm7, v7, v23;
	v7 =	vsel vm7, v23, v7  }
0xa9: {  	vm8 =	vgt.f32 v12, v59;
	v23 =	vmax.f32 v59, v12;
	v12 =	vmin.f32 v59, v12  }
0xaa: {  	v61 =	vsel vm8, v7, v20;
	v7 =	vsel vm8, v20, v7;
	vm9 =	vgt.f32 v12, v15  }
0xab: {  	v20 =	vmax.f32 v15, v12;
	v12 =	vmin.f32 v15, v12;
	v15 =	vsel vm9, v7, v19  }
0xac: {  	v7 =	vsel vm9, v19, v7;
	vm10 =	vgt.f32 v12, v11;
	v19 =	vmax.f32 v11, v12  }
0xad: {  	v11 =	vmin.f32 v11, v12;
	v12 =	vsel vm10, v7, v10;
	v7 =	vsel vm10, v10, v7  }
0xae: {  	vm11 =	vgt.f32 v11, v8;
	v8 =	vmax.f32 v8, v11;
	v10 =	vmax.f32 v9, v25  }
0xaf: {  	v9 =	vmin.f32 v9, v25;
	v6 =	vsel vm11, v7, v6;
	v7 =	vor.u32 $0x6, v5  }
0xb0: {  	vm13 =	vgt.f32 v9, v16;
	v25 =	vmax.f32 v16, v9;
	v9 =	vmin.f32 v16, v9  }
0xb1: {  	v5 =	vor.u32 $0x7, v5;
	v11 =	vsel vm12, v7, v13;
	v7 =	vsel vm12, v13, v7  }
0xb2: {  	vm14 =	vgt.f32 v9, v17;
	v13 =	vor.u32 s17, v3;
	v16 =	vsel vm13, v7, v14  }
0xb3: {  	v7 =	vsel vm13, v14, v7;
	v14 =	vmax.f32 v17, v9;
	v9 =	vmin.f32 v17, v9  }
0xb4: {  	v62 =	vsel vm14, v7, v18;
	v7 =	vsel vm14, v18, v7;
	vm15 =	vgt.f32 v9, v21  }
0xb5: {  	v18 =	vmax.f32 v21, v9;
	v9 =	vmin.f32 v21, v9;
	v27 =	vsel vm15, v7, v22  }
0xb6: {  	v7 =	vsel vm15, v22, v7;
	vm4 =	vgt.f32 v9, v23;
	v22 =	vmax.f32 v23, v9  }
0xb7: {  	v9 =	vmin.f32 v23, v9;
	v23 =	vsel vm4, v7, v61;
	v7 =	vsel vm4, v61, v7;
	v13 =	vld.idx.msk [tilespmem:v13+s3+$0x0], $0xffff  }
0xb8: {  	vm5 =	vgt.f32 v9, v20;
	v63 =	vmax.f32 v20, v9;
	v9 =	vmin.f32 v20, v9  }
0xb9: {  	v28 =	vsel vm5, v7, v15;
	v7 =	vsel vm5, v15, v7;
	vm6 =	vgt.f32 v9, v19  }
0xba: {  	v15 =	vmin.f32 v19, v9;
	v30 =	vmax.f32 v19, v9;
	v29 =	vsel vm6, v7, v12  }
0xbb: {  	v7 =	vsel vm6, v12, v7;
	vm7 =	vgt.f32 v15, v8;
	v31 =	vmax.f32 v8, v15  }
0xbc: {  	v6 =	vsel vm7, v7, v6;
	vm8 =	vgt.f32 v13, v10;
	v17 =	vmax.f32 v10, v13  }
0xbd: {  	v7 =	vmin.f32 v10, v13;
	v13 =	vsel vm8, v5, v11;
	v5 =	vsel vm8, v11, v5  }
0xbe: {  	vm9 =	vgt.f32 v7, v25;
	v21 =	vmax.f32 v25, v7;
	v7 =	vmin.f32 v25, v7  }
0xbf: {  	v12 =	vsel vm9, v5, v16;
	v5 =	vsel vm9, v16, v5;
	vm10 =	vgt.f32 v7, v14  }
0xc0: {  	v20 =	vmax.f32 v14, v7;
	v7 =	vmin.f32 v14, v7;
	v11 =	vsel vm10, v5, v62  }
0xc1: {  	v5 =	vsel vm10, v62, v5;
	vm11 =	vgt.f32 v7, v18;
	v19 =	vmax.f32 v18, v7  }
0xc2: {  	v7 =	vmin.f32 v18, v7;
	v10 =	vsel vm11, v5, v27;
	v5 =	vsel vm11, v27, v5  }
0xc3: {  	p1 =	sne.s32 s17, $0x3F;
	vm12 =	vgt.f32 v7, v22;
	v18 =	vmax.f32 v22, v7;
	v7 =	vmin.f32 v22, v7  }
.Ltmp1:
0xc4: {  	v9 =	vsel vm12, v5, v23;
	v5 =	vsel vm12, v23, v5;
	vm13 =	vgt.f32 v7, v63;
	(pc) =	sbr.rel @p1 .LBB2_6-.Ltmp1, $4  }
0xc5: {  	v16 =	vmax.f32 v63, v7;
	v14 =	vmin.f32 v63, v7;
	v8 =	vsel vm13, v5, v28  }
0xc6: {  	v5 =	vsel vm13, v28, v5;
	vm14 =	vgt.f32 v14, v30;
	v22 =	vmin.f32 v30, v14  }
0xc7: {  	v7 =	vsel vm14, v5, v29;
	v5 =	vsel vm14, v29, v5;
	vm15 =	vgt.f32 v22, v31  }
0xc8: {  	s17 =	sadd.s32 $0x8, s17;
	v15 =	vmax.f32 v30, v14;
	v14 =	vmax.f32 v31, v22;
	v6 =	vsel vm15, v5, v6  }
0xc9: {  	v5 =	vsub.f32 v17, v17  }
0xca: {  	v21 =	vsub.f32 v21, v17  }
0xcb: {  	v5 =	vmul.f32 $1.442695020e+00, v5  }
0xcc: {  	v20 =	vsub.f32 v20, v17;
	v21 =	vmul.f32 $1.442695020e+00, v21  }
0xcd: {  	(erf) = vpow2.f32 v5  }
0xce: {  	v19 =	vsub.f32 v19, v17;
	v5 =	vmul.f32 $1.442695020e+00, v20;
	(erf) = vpow2.f32 v21;
	_ =	sdelay $0x1  }
0xcf: {  	v18 =	vsub.f32 v18, v17;
	(erf) = vpow2.f32 v5;
	v5 =	vmul.f32 $1.442695020e+00, v19;
	_ =	sdelay $0x1  }
0xd0: {  	v16 =	vsub.f32 v16, v17;
	(erf) = vpow2.f32 v5;
	v5 =	vmul.f32 $1.442695020e+00, v18  }
0xd1: {  	v15 =	vsub.f32 v15, v17  }
0xd2: {  	(erf) = vpow2.f32 v5;
	v5 =	vmul.f32 $1.442695020e+00, v16;
	_ =	sdelay $0x1  }
0xd3: {  	v14 =	vsub.f32 v14, v17;
	v16 =	vpop (erf);
	(erf) = vpow2.f32 v5;
	v5 =	vmul.f32 $1.442695020e+00, v15  }
0xd4: {  	v15 =	vpop (erf)  }
0xd5: {  	(erf) = vpow2.f32 v5;
	v5 =	vmul.f32 $1.442695020e+00, v14;
	v14 =	vadd.f32 v15, v16;
	_ =	sdelay $0x1  }
0xd6: {  	v17 =	vpop (erf)  }
0xd7: {  	(erf) = vpow2.f32 v5;
	v5 =	vadd.f32 v17, v14  }
0xd8: {  	v14 =	vpop (erf)  }
0xd9: {  	v5 =	vadd.f32 v14, v5  }
0xda: {  	v18 =	vpop (erf)  }
0xdb: {  	v5 =	vadd.f32 v18, v5  }
0xdc: {  	v19 =	vpop (erf)  }
0xdd: {  	v5 =	vadd.f32 v19, v5  }
0xde: {  	v20 =	vpop (erf)  }
0xdf: {  	v5 =	vadd.f32 v20, v5  }
0xe0: {  	v21 =	vpop (erf)  }
0xe1: {  	v5 =	vadd.f32 v21, v5;
	_ =	sdelay $0x1  }
0xe2: {  	(erf) = vrcp.f32 v5;
	_ =	sdelay $0x6  }
0xe3: {  	v4 =	vshll.u32 v4, $0x4;
	s16 =	sshll.u32 s16, $0x3;
	v5 =	vadd.s32 v3, v13  }
0xe4: {  	v22 =	vadd.s32 s16, v4  }
0xe5: {  	v4 =	vadd.s32 v3, v12;
	v23 =	vpop (erf)  }
0xe6: {  	v24 =	vor.u32 $0x1, v22;
	v16 =	vmul.f32 v23, v16  }
0xe7: {  	v25 =	vadd.s32 v3, v11  }
0xe8: {  	[tilespmem:v5+s9+$0x0] =	vst.idx.msk $0xffff, v16;
	v5 =	vmul.f32 v23, v15;
	v15 =	vor.u32 $0x2, v22  }
0xe9: {  	[tilespmem:v22+s10+$0x0] =	vst.idx.msk $0xffff, v13;
	v13 =	vadd.s32 v3, v10  }
0xea: {  	[tilespmem:v4+s9+$0x0] =	vst.idx.msk $0xffff, v5;
	v4 =	vmul.f32 v23, v17;
	v5 =	vor.u32 $0x3, v22  }
0xeb: {  	[tilespmem:v24+s10+$0x0] =	vst.idx.msk $0xffff, v12;
	v12 =	vadd.s32 v3, v9  }
0xec: {  	[tilespmem:v25+s9+$0x0] =	vst.idx.msk $0xffff, v4;
	v4 =	vmul.f32 v23, v14;
	v14 =	vor.u32 $0x4, v22  }
0xed: {  	[tilespmem:v15+s10+$0x0] =	vst.idx.msk $0xffff, v11;
	v11 =	vadd.s32 v3, v8  }
0xee: {  	v16 =	vor.u32 $0x5, v22;
	[tilespmem:v13+s9+$0x0] =	vst.idx.msk $0xffff, v4;
	v13 =	vmul.f32 v23, v18  }
0xef: {  	v17 =	vadd.s32 v3, v7;
	v3 =	vadd.s32 v3, v6;
	v15 =	vimm.f32 $-Inf;
	[tilespmem:v5+s10+$0x0] =	vst.idx.msk $0xffff, v10  }
0xf0: {  	s15 =	sor.u32 $0x10, s15;
	v4 =	vmov s16;
	v18 =	vor.u32 $0x6, v22;
	v10 =	vmul.f32 v23, v19;
	[tilespmem:v12+s9+$0x0] =	vst.idx.msk $0xffff, v13  }
0xf1: {  	v5 =	vor.u32 s15, v1;
	v19 =	vmul.f32 v23, v21;
	v21 =	vimm.f32 $-Inf;
	[tilespmem:v14+s10+$0x0] =	vst.idx.msk $0xffff, v9  }
0xf2: {  	v12 =	vmul.f32 v23, v20;
	v20 =	vor.u32 $0x7, v22;
	v9 =	vshll.u32 v5, $0x7;
	[tilespmem:v11+s9+$0x0] =	vst.idx.msk $0xffff, v10  }
0xf3: {  	v13 =	vimm.s32 $0x0;
	v14 =	vimm.s32 $0x0;
	v2 =	vadd.s32 v2, v9;
	[tilespmem:v16+s10+$0x0] =	vst.idx.msk $0xffff, v8  }
0xf4: {  	v9 =	vimm.s32 $0x0;
	v10 =	vimm.s32 $0x0;
	v11 =	vimm.s32 $0x0;
	[tilespmem:v17+s9+$0x0] =	vst.idx.msk $0xffff, v12  }
0xf5: {  	v8 =	vimm.s32 $0x0;
	v16 =	vimm.f32 $-Inf;
	v12 =	vimm.s32 $0x0;
	[tilespmem:v18+s10+$0x0] =	vst.idx.msk $0xffff, v7  }
0xf6: {  	v17 =	vimm.f32 $-Inf;
	v7 =	vimm.s32 $0x0;
	v18 =	vimm.f32 $-Inf;
	[tilespmem:v3+s9+$0x0] =	vst.idx.msk $0xffff, v19  }
0xf7: {  	s15 =	simm.s32 $0x7;
	v19 =	vimm.f32 $-Inf;
	[tilespmem:v20+s10+$0x0] =	vst.idx.msk $0xffff, v6;
	v20 =	vimm.f32 $-Inf;
	v6 =	vimm.f32 $-Inf  }
.LBB2_8:
0xf8: {  	s16 =	sadd.s32 $0xFFFFFFF9, s15  }
0xf9: {  	v3 =	vor.u32 s16, v2;
	_ =	sdelay $0x4  }
0xfa: {  	v22 =	vld.idx.msk [tilespmem:v3+s3+$0x0], $0xffff;
	_ =	sdelay $0x2  }
0xfb: {  	s28 =	sadd.s32 $0xFFFFFFFC, s15  }
0xfc: {  	v54 =	vor.u32 s28, v2  }
0xfd: {  	v3 =	vmov s16;
	vm0 =	vgt.f32 v22, v6;
	v23 =	vmax.f32 v6, v22  }
0xfe: {  	v6 =	vmin.f32 v6, v22;
	v22 =	vsel vm0, s16, v14;
	v14 =	vnsel vm0, s16, v14  }
0xff: {  	s25 =	sadd.s32 $0xFFFFFFFA, s15;
	vm13 =	vgt.f32 v6, v21;
	v24 =	vmax.f32 v21, v6;
	v6 =	vmin.f32 v21, v6  }
0x100: {  	v21 =	vsel vm13, v14, v7;
	v7 =	vsel vm13, v7, v14;
	v14 =	vor.u32 s25, v2  }
0x101: {  	vm14 =	vgt.f32 v6, v20;
	v25 =	vmax.f32 v20, v6;
	v6 =	vmin.f32 v20, v6  }
0x102: {  	v20 =	vsel vm14, v7, v13;
	v7 =	vsel vm14, v13, v7;
	vm15 =	vgt.f32 v6, v19  }
0x103: {  	v13 =	vmax.f32 v19, v6;
	v6 =	vmin.f32 v19, v6;
	v19 =	vsel vm15, v7, v12  }
0x104: {  	v7 =	vsel vm15, v12, v7;
	vm4 =	vgt.f32 v6, v18;
	v12 =	vmax.f32 v18, v6  }
0x105: {  	v6 =	vmin.f32 v18, v6;
	v18 =	vsel vm4, v7, v11;
	v7 =	vsel vm4, v11, v7;
	v11 =	vld.idx.msk [tilespmem:v14+s3+$0x0], $0xffff  }
0x106: {  	vm5 =	vgt.f32 v6, v17;
	v14 =	vmax.f32 v17, v6;
	v6 =	vmin.f32 v17, v6  }
0x107: {  	v17 =	vsel vm5, v7, v10;
	v7 =	vsel vm5, v10, v7;
	vm6 =	vgt.f32 v6, v16  }
0x108: {  	v10 =	vmin.f32 v16, v6;
	v6 =	vmax.f32 v16, v6;
	v26 =	vsel vm6, v7, v9  }
0x109: {  	v7 =	vsel vm6, v9, v7;
	vm7 =	vgt.f32 v10, v15;
	v9 =	vmax.f32 v15, v10  }
0x10a: {  	v7 =	vsel vm7, v7, v8;
	v8 =	vor.u32 $0x1, v3;
	vm8 =	vgt.f32 v11, v23  }
0x10b: {  	v10 =	vmax.f32 v23, v11;
	v11 =	vmin.f32 v23, v11;
	v15 =	vsel vm8, v8, v22  }
0x10c: {  	v8 =	vsel vm8, v22, v8;
	vm9 =	vgt.f32 v11, v24;
	v16 =	vmax.f32 v24, v11  }
0x10d: {  	s26 =	sadd.s32 $0xFFFFFFFB, s15;
	v11 =	vmin.f32 v24, v11;
	v22 =	vsel vm9, v8, v21;
	v8 =	vsel vm9, v21, v8  }
0x10e: {  	v21 =	vor.u32 s26, v2;
	vm10 =	vgt.f32 v11, v25;
	v23 =	vmax.f32 v25, v11  }
0x10f: {  	v11 =	vmin.f32 v25, v11;
	v53 =	vsel vm10, v8, v20;
	v8 =	vsel vm10, v20, v8  }
0x110: {  	vm11 =	vgt.f32 v11, v13;
	v20 =	vmax.f32 v13, v11;
	v11 =	vmin.f32 v13, v11  }
0x111: {  	v13 =	vsel vm11, v8, v19;
	v8 =	vsel vm11, v19, v8;
	vm12 =	vgt.f32 v11, v12  }
0x112: {  	v19 =	vmax.f32 v12, v11;
	v11 =	vmin.f32 v12, v11;
	v12 =	vsel vm12, v8, v18  }
0x113: {  	v8 =	vsel vm12, v18, v8;
	vm13 =	vgt.f32 v11, v14;
	v18 =	vld.idx.msk [tilespmem:v21+s3+$0x0], $0xffff;
	v21 =	vmax.f32 v14, v11  }
0x114: {  	v11 =	vmin.f32 v14, v11;
	v14 =	vsel vm13, v8, v17;
	v8 =	vsel vm13, v17, v8  }
0x115: {  	v25 =	vld.idx.msk [tilespmem:v54+s3+$0x0], $0xffff;
	vm14 =	vgt.f32 v11, v6;
	v17 =	vmax.f32 v6, v11;
	v6 =	vmin.f32 v6, v11  }
0x116: {  	v11 =	vsel vm14, v8, v26;
	v8 =	vsel vm14, v26, v8;
	vm15 =	vgt.f32 v6, v9  }
0x117: {  	v6 =	vmax.f32 v9, v6;
	v7 =	vsel vm15, v8, v7;
	v8 =	vor.u32 $0x2, v3  }
0x118: {  	vm4 =	vgt.f32 v18, v10;
	v9 =	vmax.f32 v10, v18;
	v10 =	vmin.f32 v10, v18  }
0x119: {  	v18 =	vsel vm4, v8, v15;
	v8 =	vsel vm4, v15, v8;
	vm5 =	vgt.f32 v10, v16  }
0x11a: {  	v15 =	vmax.f32 v16, v10;
	v10 =	vmin.f32 v16, v10;
	vm12 =	vgt.f32 v25, v9  }
0x11b: {  	v16 =	vsel vm5, v8, v22;
	v8 =	vsel vm5, v22, v8;
	vm6 =	vgt.f32 v10, v23  }
0x11c: {  	v22 =	vmax.f32 v23, v10;
	v10 =	vmin.f32 v23, v10;
	v23 =	vsel vm6, v8, v53  }
0x11d: {  	v8 =	vsel vm6, v53, v8;
	vm7 =	vgt.f32 v10, v20;
	v55 =	vmax.f32 v20, v10  }
0x11e: {  	v10 =	vmin.f32 v20, v10;
	v20 =	vsel vm7, v8, v13;
	v8 =	vsel vm7, v13, v8  }
0x11f: {  	vm8 =	vgt.f32 v10, v19;
	v13 =	vmax.f32 v19, v10;
	v10 =	vmin.f32 v19, v10  }
0x120: {  	v19 =	vsel vm8, v8, v12;
	v8 =	vsel vm8, v12, v8;
	vm9 =	vgt.f32 v10, v21  }
0x121: {  	v12 =	vmax.f32 v21, v10;
	v10 =	vmin.f32 v21, v10;
	v21 =	vsel vm9, v8, v14  }
0x122: {  	v8 =	vsel vm9, v14, v8;
	vm10 =	vgt.f32 v10, v17;
	v14 =	vmax.f32 v17, v10  }
0x123: {  	v10 =	vmin.f32 v17, v10;
	v17 =	vsel vm10, v8, v11;
	v8 =	vsel vm10, v11, v8  }
0x124: {  	vm11 =	vgt.f32 v10, v6;
	v6 =	vmax.f32 v6, v10;
	v10 =	vmax.f32 v9, v25  }
0x125: {  	s31 =	sadd.s32 $0xFFFFFFFF, s15;
	v9 =	vmin.f32 v9, v25;
	v7 =	vsel vm11, v8, v7;
	v8 =	vor.u32 $0x3, v3  }
0x126: {  	v60 =	vor.u32 s31, v2;
	vm13 =	vgt.f32 v9, v15;
	v11 =	vsel vm12, v8, v18  }
0x127: {  	s29 =	sadd.s32 $0xFFFFFFFD, s15;
	v8 =	vsel vm12, v18, v8;
	v18 =	vmax.f32 v15, v9;
	v9 =	vmin.f32 v15, v9  }
0x128: {  	v15 =	vsel vm13, v8, v16;
	v8 =	vsel vm13, v16, v8;
	v16 =	vor.u32 s29, v2  }
0x129: {  	vm14 =	vgt.f32 v9, v22;
	v56 =	vmax.f32 v22, v9;
	v9 =	vmin.f32 v22, v9  }
0x12a: {  	v22 =	vsel vm14, v8, v23;
	v8 =	vsel vm14, v23, v8;
	vm15 =	vgt.f32 v9, v55  }
0x12b: {  	v23 =	vmax.f32 v55, v9;
	v9 =	vmin.f32 v55, v9;
	v57 =	vsel vm15, v8, v20  }
0x12c: {  	v8 =	vsel vm15, v20, v8;
	vm4 =	vgt.f32 v9, v13;
	v20 =	vmax.f32 v13, v9  }
0x12d: {  	v9 =	vmin.f32 v13, v9;
	v13 =	vsel vm4, v8, v19;
	v8 =	vsel vm4, v19, v8;
	v16 =	vld.idx.msk [tilespmem:v16+s3+$0x0], $0xffff  }
0x12e: {  	vm5 =	vgt.f32 v9, v12;
	v19 =	vmax.f32 v12, v9;
	v9 =	vmin.f32 v12, v9  }
0x12f: {  	v12 =	vsel vm5, v8, v21;
	v8 =	vsel vm5, v21, v8;
	vm6 =	vgt.f32 v9, v14  }
0x130: {  	v21 =	vmin.f32 v14, v9;
	v9 =	vmax.f32 v14, v9;
	v58 =	vsel vm6, v8, v17  }
0x131: {  	v8 =	vsel vm6, v17, v8;
	vm7 =	vgt.f32 v21, v6;
	v6 =	vmax.f32 v6, v21  }
0x132: {  	v7 =	vsel vm7, v8, v7;
	v8 =	vor.u32 $0x4, v3;
	vm8 =	vgt.f32 v16, v10  }
0x133: {  	v14 =	vmax.f32 v10, v16;
	v10 =	vmin.f32 v10, v16;
	v16 =	vsel vm8, v8, v11  }
0x134: {  	v8 =	vsel vm8, v11, v8;
	vm9 =	vgt.f32 v10, v18;
	v11 =	vmax.f32 v18, v10  }
0x135: {  	s30 =	sadd.s32 $0xFFFFFFFE, s15;
	v10 =	vmin.f32 v18, v10;
	v17 =	vsel vm9, v8, v15;
	v8 =	vsel vm9, v15, v8  }
0x136: {  	v15 =	vor.u32 s30, v2;
	vm10 =	vgt.f32 v10, v56;
	v18 =	vmax.f32 v56, v10  }
0x137: {  	v10 =	vmin.f32 v56, v10;
	v21 =	vsel vm10, v8, v22;
	v8 =	vsel vm10, v22, v8  }
0x138: {  	vm11 =	vgt.f32 v10, v23;
	v22 =	vmax.f32 v23, v10;
	v10 =	vmin.f32 v23, v10  }
0x139: {  	v23 =	vsel vm11, v8, v57;
	v8 =	vsel vm11, v57, v8;
	vm12 =	vgt.f32 v10, v20  }
0x13a: {  	v59 =	vmax.f32 v20, v10;
	v10 =	vmin.f32 v20, v10;
	v20 =	vsel vm12, v8, v13  }
0x13b: {  	v8 =	vsel vm12, v13, v8;
	vm13 =	vgt.f32 v10, v19;
	v13 =	vld.idx.msk [tilespmem:v15+s3+$0x0], $0xffff;
	v15 =	vmax.f32 v19, v10  }
0x13c: {  	v10 =	vmin.f32 v19, v10;
	v19 =	vsel vm13, v8, v12;
	v8 =	vsel vm13, v12, v8  }
0x13d: {  	v25 =	vld.idx.msk [tilespmem:v60+s3+$0x0], $0xffff;
	vm14 =	vgt.f32 v10, v9;
	v12 =	vmax.f32 v9, v10;
	v9 =	vmin.f32 v9, v10  }
0x13e: {  	v10 =	vsel vm14, v8, v58;
	v8 =	vsel vm14, v58, v8;
	vm15 =	vgt.f32 v9, v6  }
0x13f: {  	v6 =	vmax.f32 v6, v9;
	v7 =	vsel vm15, v8, v7;
	v8 =	vor.u32 $0x5, v3  }
0x140: {  	vm4 =	vgt.f32 v13, v14;
	v9 =	vmax.f32 v14, v13;
	v13 =	vmin.f32 v14, v13  }
0x141: {  	v14 =	vsel vm4, v8, v16;
	v8 =	vsel vm4, v16, v8;
	vm5 =	vgt.f32 v13, v11  }
0x142: {  	v16 =	vmax.f32 v11, v13;
	v11 =	vmin.f32 v11, v13;
	vm12 =	vgt.f32 v25, v9  }
0x143: {  	v13 =	vsel vm5, v8, v17;
	v8 =	vsel vm5, v17, v8;
	vm6 =	vgt.f32 v11, v18  }
0x144: {  	v17 =	vmax.f32 v18, v11;
	v11 =	vmin.f32 v18, v11;
	v18 =	vsel vm6, v8, v21  }
0x145: {  	v8 =	vsel vm6, v21, v8;
	vm7 =	vgt.f32 v11, v22;
	v21 =	vmax.f32 v22, v11  }
0x146: {  	v11 =	vmin.f32 v22, v11;
	v22 =	vsel vm7, v8, v23;
	v8 =	vsel vm7, v23, v8  }
0x147: {  	vm8 =	vgt.f32 v11, v59;
	v23 =	vmax.f32 v59, v11;
	v11 =	vmin.f32 v59, v11  }
0x148: {  	v61 =	vsel vm8, v8, v20;
	v8 =	vsel vm8, v20, v8;
	vm9 =	vgt.f32 v11, v15  }
0x149: {  	v20 =	vmax.f32 v15, v11;
	v11 =	vmin.f32 v15, v11;
	v15 =	vsel vm9, v8, v19  }
0x14a: {  	v8 =	vsel vm9, v19, v8;
	vm10 =	vgt.f32 v11, v12;
	v19 =	vmax.f32 v12, v11  }
0x14b: {  	v11 =	vmin.f32 v12, v11;
	v12 =	vsel vm10, v8, v10;
	v8 =	vsel vm10, v10, v8  }
0x14c: {  	vm11 =	vgt.f32 v11, v6;
	v6 =	vmax.f32 v6, v11;
	v10 =	vmax.f32 v9, v25  }
0x14d: {  	v9 =	vmin.f32 v9, v25;
	v7 =	vsel vm11, v8, v7;
	v8 =	vor.u32 $0x6, v3  }
0x14e: {  	vm13 =	vgt.f32 v9, v16;
	v25 =	vmax.f32 v16, v9;
	v9 =	vmin.f32 v16, v9  }
0x14f: {  	v3 =	vor.u32 $0x7, v3;
	v11 =	vsel vm12, v8, v14;
	v8 =	vsel vm12, v14, v8  }
0x150: {  	v16 =	vsel vm13, v8, v13;
	v8 =	vsel vm13, v13, v8;
	v13 =	vor.u32 s15, v2  }
0x151: {  	vm14 =	vgt.f32 v9, v17;
	v62 =	vmax.f32 v17, v9;
	v9 =	vmin.f32 v17, v9  }
0x152: {  	vm15 =	vgt.f32 v9, v21;
	v17 =	vsel vm14, v8, v18;
	v8 =	vsel vm14, v18, v8  }
0x153: {  	v18 =	vmax.f32 v21, v9;
	v9 =	vmin.f32 v21, v9;
	v27 =	vsel vm15, v8, v22  }
0x154: {  	v8 =	vsel vm15, v22, v8;
	vm4 =	vgt.f32 v9, v23;
	v22 =	vmax.f32 v23, v9  }
0x155: {  	v9 =	vmin.f32 v23, v9;
	v23 =	vsel vm4, v8, v61;
	v8 =	vsel vm4, v61, v8;
	v13 =	vld.idx.msk [tilespmem:v13+s3+$0x0], $0xffff  }
0x156: {  	vm5 =	vgt.f32 v9, v20;
	v63 =	vmax.f32 v20, v9;
	v9 =	vmin.f32 v20, v9  }
0x157: {  	v28 =	vsel vm5, v8, v15;
	v8 =	vsel vm5, v15, v8;
	vm6 =	vgt.f32 v9, v19  }
0x158: {  	v14 =	vmin.f32 v19, v9;
	v29 =	vmax.f32 v19, v9;
	v15 =	vsel vm6, v8, v12  }
0x159: {  	v8 =	vsel vm6, v12, v8;
	vm7 =	vgt.f32 v14, v6;
	v30 =	vmax.f32 v6, v14  }
0x15a: {  	v8 =	vsel vm7, v8, v7;
	vm8 =	vgt.f32 v13, v10;
	v6 =	vmax.f32 v10, v13  }
0x15b: {  	v7 =	vmin.f32 v10, v13;
	v14 =	vsel vm8, v3, v11;
	v3 =	vsel vm8, v11, v3  }
0x15c: {  	vm9 =	vgt.f32 v7, v25;
	v21 =	vmax.f32 v25, v7;
	v9 =	vmin.f32 v25, v7  }
0x15d: {  	v7 =	vsel vm9, v3, v16;
	v3 =	vsel vm9, v16, v3;
	vm10 =	vgt.f32 v9, v62  }
0x15e: {  	v20 =	vmax.f32 v62, v9;
	v9 =	vmin.f32 v62, v9;
	v13 =	vsel vm10, v3, v17  }
0x15f: {  	v3 =	vsel vm10, v17, v3;
	vm11 =	vgt.f32 v9, v18;
	v19 =	vmax.f32 v18, v9  }
0x160: {  	v9 =	vmin.f32 v18, v9;
	v12 =	vsel vm11, v3, v27;
	v3 =	vsel vm11, v27, v3  }
0x161: {  	p1 =	sne.s32 s15, $0x3F;
	vm12 =	vgt.f32 v9, v22;
	v18 =	vmax.f32 v22, v9;
	v9 =	vmin.f32 v22, v9  }
.Ltmp2:
0x162: {  	v11 =	vsel vm12, v3, v23;
	v3 =	vsel vm12, v23, v3;
	vm13 =	vgt.f32 v9, v63;
	(pc) =	sbr.rel @p1 .LBB2_8-.Ltmp2, $4  }
0x163: {  	v17 =	vmax.f32 v63, v9;
	v16 =	vmin.f32 v63, v9;
	v10 =	vsel vm13, v3, v28  }
0x164: {  	v3 =	vsel vm13, v28, v3;
	vm14 =	vgt.f32 v16, v29;
	v22 =	vmin.f32 v29, v16  }
0x165: {  	v9 =	vsel vm14, v3, v15;
	v3 =	vsel vm14, v15, v3;
	vm15 =	vgt.f32 v22, v30  }
0x166: {  	s15 =	sadd.s32 $0x8, s15;
	v16 =	vmax.f32 v29, v16;
	v15 =	vmax.f32 v30, v22;
	v8 =	vsel vm15, v3, v8  }
0x167: {  	v3 =	vsub.f32 v6, v6  }
0x168: {  	v21 =	vsub.f32 v21, v6  }
0x169: {  	v3 =	vmul.f32 $1.442695020e+00, v3  }
0x16a: {  	v20 =	vsub.f32 v20, v6;
	v21 =	vmul.f32 $1.442695020e+00, v21  }
0x16b: {  	(erf) = vpow2.f32 v3  }
0x16c: {  	v19 =	vsub.f32 v19, v6;
	v3 =	vmul.f32 $1.442695020e+00, v20;
	(erf) = vpow2.f32 v21;
	_ =	sdelay $0x1  }
0x16d: {  	v18 =	vsub.f32 v18, v6;
	(erf) = vpow2.f32 v3;
	v3 =	vmul.f32 $1.442695020e+00, v19;
	_ =	sdelay $0x1  }
0x16e: {  	v17 =	vsub.f32 v17, v6;
	(erf) = vpow2.f32 v3;
	v3 =	vmul.f32 $1.442695020e+00, v18;
	_ =	sdelay $0x1  }
0x16f: {  	v16 =	vsub.f32 v16, v6;
	(erf) = vpow2.f32 v3;
	v3 =	vmul.f32 $1.442695020e+00, v17;
	_ =	sdelay $0x1  }
0x170: {  	v38 =	vsub.f32 v15, v6;
	v37 =	vpop (erf);
	(erf) = vpow2.f32 v3;
	v3 =	vmul.f32 $1.442695020e+00, v16  }
0x171: {  	v39 =	vpop (erf)  }
0x172: {  	(erf) = vpow2.f32 v3;
	v3 =	vmul.f32 $1.442695020e+00, v38;
	v40 =	vadd.f32 v39, v37  }
0x173: {  	v41 =	vpop (erf)  }
0x174: {  	(erf) = vpow2.f32 v3;
	v3 =	vadd.f32 v41, v40  }
0x175: {  	v42 =	vpop (erf)  }
0x176: {  	v3 =	vadd.f32 v42, v3  }
0x177: {  	v43 =	vpop (erf)  }
0x178: {  	v3 =	vadd.f32 v43, v3  }
0x179: {  	v44 =	vpop (erf)  }
0x17a: {  	v3 =	vadd.f32 v44, v3  }
0x17b: {  	v45 =	vpop (erf)  }
0x17c: {  	v3 =	vadd.f32 v45, v3  }
0x17d: {  	v46 =	vpop (erf)  }
0x17e: {  	v3 =	vadd.f32 v46, v3;
	_ =	sdelay $0x1  }
0x17f: {  	(erf) = vrcp.f32 v3;
	_ =	sdelay $0x6  }
0x180: {  	v47 =	vadd.s32 v2, v14;
	v3 =	vshll.u32 v5, $0x4  }
0x181: {  	v3 =	vadd.s32 v4, v3  }
0x182: {  	v22 =	vadd.s32 v2, v7;
	v48 =	vpop (erf)  }
0x183: {  	v23 =	vor.u32 $0x1, v3;
	v17 =	vmul.f32 v48, v37  }
0x184: {  	v24 =	vadd.s32 v2, v13  }
0x185: {  	v50 =	vor.u32 $0x2, v3;
	v49 =	vmul.f32 v48, v39;
	[tilespmem:v47+s9+$0x0] =	vst.idx.msk $0xffff, v17  }
0x186: {  	v51 =	vadd.s32 v2, v12;
	[tilespmem:v3+s10+$0x0] =	vst.idx.msk $0xffff, v14  }
0x187: {  	v53 =	vor.u32 $0x3, v3;
	v52 =	vmul.f32 v48, v41;
	[tilespmem:v22+s9+$0x0] =	vst.idx.msk $0xffff, v49  }
0x188: {  	v54 =	vadd.s32 v2, v11;
	[tilespmem:v23+s10+$0x0] =	vst.idx.msk $0xffff, v7  }
0x189: {  	v56 =	vor.u32 $0x4, v3;
	v55 =	vmul.f32 v48, v42;
	[tilespmem:v24+s9+$0x0] =	vst.idx.msk $0xffff, v52  }
0x18a: {  	v57 =	vadd.s32 v2, v10;
	[tilespmem:v50+s10+$0x0] =	vst.idx.msk $0xffff, v13  }
0x18b: {  	v59 =	vor.u32 $0x5, v3;
	v58 =	vmul.f32 v48, v43;
	[tilespmem:v51+s9+$0x0] =	vst.idx.msk $0xffff, v55  }
0x18c: {  	v60 =	vadd.s32 v2, v9;
	[tilespmem:v53+s10+$0x0] =	vst.idx.msk $0xffff, v12  }
0x18d: {  	v62 =	vor.u32 $0x6, v3;
	v61 =	vmul.f32 v48, v44;
	[tilespmem:v54+s9+$0x0] =	vst.idx.msk $0xffff, v58  }
0x18e: {  	v2 =	vadd.s32 v2, v8;
	[tilespmem:v56+s10+$0x0] =	vst.idx.msk $0xffff, v11  }
0x18f: {  	p1 =	slt.u32 s14, $0x1E;
	v63 =	vmul.f32 v48, v45;
	v3 =	vor.u32 $0x7, v3;
	[tilespmem:v57+s9+$0x0] =	vst.idx.msk $0xffff, v61  }
.Ltmp3:
0x190: {  	[tilespmem:v59+s10+$0x0] =	vst.idx.msk $0xffff, v10;
	(pc) =	sbr.rel @p1 .LBB2_5-.Ltmp3, $4  }
0x191: {  	v4 =	vmul.f32 v48, v46;
	[tilespmem:v60+s9+$0x0] =	vst.idx.msk $0xffff, v63  }
0x192: {  	[tilespmem:v62+s10+$0x0] =	vst.idx.msk $0xffff, v9  }
0x193: {  	s15 =	sadd.s32 $0x2, s14;
	[tilespmem:v2+s9+$0x0] =	vst.idx.msk $0xffff, v4  }
0x194: {  	s14 =	smov.u32 s15;
	[tilespmem:v3+s10+$0x0] =	vst.idx.msk $0xffff, v8  }
0x195: {  	s13 =	sadd.s32 s5, s13  }
0x196: {  	[hbm4b:s13+s3] =	stream.linear.scatter [tilespmem:s9], [sflag:$0x1], $0x8000, $0x38;
	[tilespmem:$0x11000] =	vst v63  }
0x197: {  	_ =	swait.ge [sflag:s8], $0x8000  }
0x198: {  	[sflag:s8] =	ssyncset.done $0x0  }
.Ltmp4:
0x199: {  	s12 =	sadd.s32 s2, s12;
	[sflag:s8] =	ssyncadd.s32 $0xFFFF8000;
	(pc) =	sbr.rel @p0 .LBB2_2-.Ltmp4, $4  }
0x19a: {  	[hbm4b:s12+s3] =	stream.linear.scatter [tilespmem:s10], [sflag:$0x1], $0x1000, $0x38;
	[tilespmem:$0x11000] =	vst v63  }
0x19b: {  	_ =	swait.ge [sflag:s8], $0x1000  }
0x19c: {  	[sflag:s8] =	ssyncset.done $0x0  }
0x19d: {  	p1 =	por $0x0, $0x0;
	s12 =	simm.s32 $0x200;
	[sflag:s8] =	ssyncadd.s32 $0xFFFFF000  }
0x19e: {  	s11 =	sadd.s32 $0x1, s11  }
0x19f: {  	p0 =	sne.s32 s11, s7  }
.Ltmp5:
0x1a0: {  	_ = 	snop;
	(pc) =	sbr.rel @p0 .LBB2_1-.Ltmp5, $1  }
0x1a1: {  	_ =	sdelay $0x3  }
0x1a2: {  	_ =	sfence.sel $0x180000  }
0x1a3: {  	[bflag:$0x0] =	sbarrier.arrive $0xFFFF  }
0x1a4: {  	p0 =	sne.s32 s4, $0x0;
	_ =	strace $0x90000047  }
0x1a5: {  	s0 =	sadd.s32 @!p0 $0x100000, s0;
	[bflag:$0x2] =	sbarrier.arrive $0xFFFF  }
0x1a6: {  	[sflag:s0] =	ssyncadd.tile.s32 @!p0 $0x1;
	_ =	shalt  }
.Lfunc_end2:
_tile_overlayer_lowered:
.L_overlay_start_2:
0x1a7: {  	(tag) =	ssettag $0x2  }
0x1a8: {  	s0 =	rddreg [dreg:$0x0];
	s2 =	stileid.u32  }
0x1a9: {  	s1 =	rddreg [dreg:$0x1];
	p0 =	sne.s32 s2, $0x0  }
0x1aa: {  	s3 =	rddreg [dreg:$0x2];
	[bflag:$0x3] =	sbarrier.arrive $0xFFFF;
	s2 =	simm.s32 @!p0 $0x1C01  }
0x1ab: {  	[timem:s3], [sflag:s2] =	dma.local @!p0 [hbm:s0], s1  }
0x1ac: {  	s0 =	simm.s32 @!p0 $0x1  }
0x1ad: {  	_ =	swait.ge @!p0 [sflag:s0], s1  }
0x1ae: {  	s1 =	ssub.s32 @!p0 $0x0, s1;
	[sflag:s0] =	ssyncset.done @!p0 $0x0  }
0x1af: {  	[sflag:s0] =	ssyncadd.s32 @!p0 s1  }
0x1b0: {  	[bflag:$0x3] =	sbarrier.arrive $0xFFFF  }
0x1b1: {  	_ =	shalt  }

</sc_bundles>
